<compile_context>
chip_gen: v7x
topology: tpu7x:2x2x1
jax: 0.10.2.dev20260603
libtpu: 0.0.44.dev20260713+nightly
codegen_flags: <defaults>
</compile_context>

<pallas_src>
import jax
import jax.numpy as jnp
from jax import lax
from jax.experimental import pallas as pl
from jax.experimental.pallas import tpu as pltpu
from jax.experimental.pallas import tpu_sc as plsc

H = 32
R = 4
HR = H * R
LANES = 16
C = 128
NBUF = 2
TBLK = 8192


def _quarter_width(V):
    return (V // R + 127) // 128 * 128


def _tc_quadpack(V):
    V4 = _quarter_width(V)
    W3 = V - 3 * V4
    grid = pl.cdiv(V4, TBLK)
    g3f = W3 // TBLK
    edge = W3 - g3f * TBLK

    def body(tt_ref, o_ref, xb0, xb1, xbe, sem):
        g = pl.program_id(0)
        xbufs = (xb0, xb1)

        def start(gi, xb):
            for q in range(R - 1):
                pltpu.make_async_copy(
                    tt_ref.at[:, pl.ds(q * V4 + gi * TBLK, TBLK)],
                    xb.at[pl.ds(q * H, H), :],
                    sem,
                ).start()

            @pl.when(gi < g3f)
            def _():
                pltpu.make_async_copy(
                    tt_ref.at[:, pl.ds(3 * V4 + gi * TBLK, TBLK)],
                    xb.at[pl.ds(3 * H, H), :],
                    sem,
                ).start()

            if edge:
                @pl.when(gi == g3f)
                def _():
                    pltpu.make_async_copy(
                        tt_ref.at[:, pl.ds(3 * V4 + g3f * TBLK, edge)],
                        xbe,
                        sem,
                    ).start()

        def wait_for(gi, xb):
            for q in range(R - 1):
                pltpu.make_async_copy(
                    tt_ref.at[:, pl.ds(0, TBLK)],
                    xb.at[pl.ds(q * H, H), :],
                    sem,
                ).wait()

            @pl.when(gi < g3f)
            def _():
                pltpu.make_async_copy(
                    tt_ref.at[:, pl.ds(0, TBLK)],
                    xb.at[pl.ds(3 * H, H), :],
                    sem,
                ).wait()

            if edge:
                @pl.when(gi == g3f)
                def _():
                    pltpu.make_async_copy(
                        tt_ref.at[:, pl.ds(3 * V4 + g3f * TBLK, edge)],
                        xbe,
                        sem,
                    ).wait()

        @pl.when(g == 0)
        def _():
            start(0, xbufs[0])

        def phase(par):
            @pl.when(lax.rem(g, 2) == par)
            def _():
                xb = xbufs[par]
                nxt = xbufs[1 - par]

                @pl.when(g + 1 < grid)
                def _():
                    start(g + 1, nxt)

                wait_for(g, xb)
                o_ref[...] = xb[...].T
                if edge:
                    @pl.when(g == g3f)
                    def _():
                        o_ref[pl.ds(0, edge), (R - 1) * H:] = xbe[...].T

        phase(0)
        phase(1)

    return pl.pallas_call(
        body,
        grid=(grid,),
        in_specs=[pl.BlockSpec(memory_space=pl.ANY)],
        out_specs=pl.BlockSpec((TBLK, HR), lambda g: (g, 0)),
        out_shape=jax.ShapeDtypeStruct((V4, HR), jnp.float32),
        scratch_shapes=[
            pltpu.VMEM((HR, TBLK), jnp.float32),
            pltpu.VMEM((HR, TBLK), jnp.float32),
            pltpu.VMEM((H, edge if edge else 128), jnp.float32),
            pltpu.SemaphoreType.DMA,
        ],
    )


def _sc_kernel(B, b_per_w, num_cores, V4):
    mesh = plsc.VectorSubcoreMesh(core_axis_name="c", subcore_axis_name="s")
    n_chunks = b_per_w // C
    n_outer = n_chunks // NBUF

    def body(ids_hbm, table_hbm, w_hbm, out_hbm, idx_v, idx4_v, w_v, *scr):
        in_vs = list(scr[0:NBUF])
        out_vs = list(scr[NBUF:2 * NBUF])
        gsems = list(scr[2 * NBUF:3 * NBUF])
        ssems = list(scr[3 * NBUF:4 * NBUF])
        wid = lax.axis_index("s") * num_cores + lax.axis_index("c")
        base = wid * b_per_w
        pltpu.sync_copy(
            ids_hbm.at[pl.ds(base, b_per_w)], idx_v.at[pl.ds(0, b_per_w)]
        )
        pltpu.sync_copy(w_hbm, w_v)
        w_vecs = [w_v[pl.ds(LANES * k, LANES)] for k in range(HR // LANES)]
        rep = lax.iota(jnp.int32, LANES) // R
        cidx = [rep + k * R for k in range(HR // LANES)]

        @plsc.parallel_loop(0, b_per_w // LANES, unroll=8)
        def quad_body(i):
            v = idx_v[pl.ds(i * LANES, LANES)]
            q = (
                (v >= V4).astype(jnp.int32)
                + (v >= 2 * V4).astype(jnp.int32)
                + (v >= 3 * V4).astype(jnp.int32)
            )
            idx4_v[pl.ds(i * LANES, LANES)] = (v - q * V4) * R + q

        for b in range(NBUF):
            pltpu.async_copy(
                table_hbm.at[idx4_v.at[pl.ds(b * C, C)]], in_vs[b], gsems[b]
            )

        def outer(i, _):
            for b in range(NBUF):
                ch = i * NBUF + b
                in_v, out_v = in_vs[b], out_vs[b]
                pltpu.make_async_copy(
                    table_hbm.at[pl.ds(0, C)], in_v, gsems[b]
                ).wait()

                @pl.when(i >= 1)
                def _():
                    pltpu.make_async_copy(
                        out_v, out_hbm.at[pl.ds(base, C)], ssems[b]
                    ).wait()

                @plsc.parallel_loop(0, C, unroll=4)
                def row_body(row):
                    rsp = jnp.full((LANES,), row, dtype=jnp.int32)
                    for k in range(HR // LANES):
                        g = plsc.load_gather(in_v, [rsp, cidx[k]])
                        out_v[row, pl.ds(LANES * k, LANES)] = g * w_vecs[k]

                pltpu.async_copy(
                    out_v, out_hbm.at[pl.ds(base + ch * C, C)], ssems[b]
                )

                @pl.when(ch + NBUF < n_chunks)
                def _():
                    pltpu.async_copy(
                        table_hbm.at[idx4_v.at[pl.ds((ch + NBUF) * C, C)]],
                        in_v,
                        gsems[b],
                    )
            return 0

        lax.fori_loop(0, n_outer, outer, 0)
        for b in range(NBUF):
            pltpu.make_async_copy(
                out_vs[b], out_hbm.at[pl.ds(base, C)], ssems[b]
            ).wait()

    return pl.kernel(
        body,
        out_type=jax.ShapeDtypeStruct((B, HR), jnp.float32),
        mesh=mesh,
        scratch_types=(
            [
                pltpu.VMEM((b_per_w,), jnp.int32),
                pltpu.VMEM((b_per_w,), jnp.int32),
                pltpu.VMEM((HR,), jnp.float32),
            ]
            + [pltpu.VMEM((C, H), jnp.float32) for _ in range(NBUF)]
            + [pltpu.VMEM((C, HR), jnp.float32) for _ in range(NBUF)]
            + [pltpu.SemaphoreType.DMA for _ in range(2 * NBUF)]
        ),
        compiler_params=pltpu.CompilerParams(
            use_tc_tiling_on_sc=False, needs_layout_passes=False
        ),
    )


def kernel(input_ids, table, w_up):
    bs, l = input_ids.shape
    B = bs * l
    V = table.shape[0]
    info = plsc.get_sparse_core_info()
    nw = info.num_cores * info.num_subcores
    b_per_w = B // nw
    assert b_per_w * nw == B and b_per_w % (C * NBUF) == 0
    assert V % 8 == 0 and 3 * _quarter_width(V) < V
    ids2 = input_ids.T.reshape(B).astype(jnp.int32)
    tt = table.T
    V4 = _quarter_width(V)
    table_lin = _tc_quadpack(V)(tt).reshape(R * V4, H)
    out2 = _sc_kernel(B, b_per_w, info.num_cores, V4)(ids2, table_lin, w_up)
    return out2.reshape(l, bs, HR).transpose(1, 0, 2)

# --- scband reference (transcript-rebuilt; emitter-appended) ---
"""Pipeline reference for scband-rat-embedding-10264971838052 (READ-ONLY COPY).

The authoritative reference and input builder live on the scoring server;
editing this copy changes nothing except your own understanding.
"""

import jax, jax.numpy as jnp
import numpy as np

V, H, R = 1000000, 32, 4
BS, L = 4096, 50


def setup_inputs(seed: int = 0) -> dict:
    key = jax.random.key(seed)
    k1, k2, k3 = jax.random.split(key, 3)
    input_ids = jax.random.randint(k1, (BS, L), 0, V)
    table = jax.random.normal(k2, (V, H), dtype=jnp.float32)
    # grouped Conv1d(H -> H*R, kernel=1, groups=H, bias=False) weight has shape [H*R, 1, 1];
    # flatten to [H*R]. special_init_weights: normal(0, 1/sqrt(residual_channels)).
    w_up = jax.random.normal(k3, (H * R,), dtype=jnp.float32) * (1.0 / np.sqrt(R))
    return {"input_ids": input_ids, "table": table, "w_up": w_up}


def reference(input_ids, table, w_up):
    bs, l = input_ids.shape
    h = table.shape[1]
    r = w_up.shape[0] // h
    # embedding lookup (SparseCore gather)
    emb = jnp.take(table, input_ids, axis=0)  # [bs, l, H]
    # grouped 1x1 conv: output channel c*R + r_i = emb[..., c] * w_up[c*R + r_i]
    out = emb[..., :, None] * w_up.reshape(h, r)  # [bs, l, H, R]
    return out.reshape(bs, l, h * r)

if __name__ == "__main__":
    import jax
    _d = setup_inputs()
    print(jax.jit(kernel)(*tuple(_d.values())))

</pallas_src>

<mosaic_0001>
#map = affine_map<(d0, d1) -> (0)>
#map1 = affine_map<(d0, d1) -> (0, 0)>
module attributes {stable_mosaic.version = 14 : i64} {
  func.func @body(%arg0: i32, %arg1: i32, %arg2: memref<204800xi32, #tpu.memory_space<hbm>>, %arg3: memref<1000448x32xf32, #tpu.memory_space<hbm>>, %arg4: memref<128xf32, #tpu.memory_space<hbm>>, %arg5: memref<204800x128xf32, #tpu.memory_space<hbm>>, %arg6: memref<6400xi32, #tpu.memory_space<vmem>>, %arg7: memref<6400xi32, #tpu.memory_space<vmem>>, %arg8: memref<128xf32, #tpu.memory_space<vmem>>, %arg9: memref<128x32xf32, #tpu.memory_space<vmem>>, %arg10: memref<128x32xf32, #tpu.memory_space<vmem>>, %arg11: memref<128x128xf32, #tpu.memory_space<vmem>>, %arg12: memref<128x128xf32, #tpu.memory_space<vmem>>, %arg13: memref<!tpu.dma_semaphore, #tpu.memory_space<semaphore_mem>>, %arg14: memref<!tpu.dma_semaphore, #tpu.memory_space<semaphore_mem>>, %arg15: memref<!tpu.dma_semaphore, #tpu.memory_space<semaphore_mem>>, %arg16: memref<!tpu.dma_semaphore, #tpu.memory_space<semaphore_mem>>) attributes {dimension_semantics = [#tpu.dimension_semantics<core_parallel>, #tpu.dimension_semantics<subcore_parallel>], iteration_bounds = array<i64: 2, 16>, scalar_prefetch = 0 : i64, scratch_operands = 11 : i64, tpu.core_type = #tpu.core_type<sc_vector_subcore>, window_params = [{transform_indices = #map}, {transform_indices = #map1}, {transform_indices = #map}, {transform_indices = #map1}]} {
    %mul3A = arith.constant 2 : i32
    %mul3A_0 = arith.muli %arg1, %mul3A : i32
    %add3A = arith.addi %mul3A_0, %arg0 : i32
    %mul3A_1 = arith.constant 6400 : i32
    %mul3A_2 = arith.muli %add3A, %mul3A_1 : i32
    "tpu.region"() ({
      %run_scoped3A = tpu.sem_alloc : memref<!tpu.dma_semaphore, #tpu.memory_space<semaphore_mem>>
      %dma_start3A_89 = arith.constant 0 : i32
      %dma_start3A_90 = tpu.memref_slice %arg6[%dma_start3A_89] : memref<6400xi32, #tpu.memory_space<vmem>> -> memref<6400xi32, #tpu.memory_space<vmem>>
      %dma_start3A_91 = tpu.memref_slice %arg2[%mul3A_2] : memref<204800xi32, #tpu.memory_space<hbm>> -> memref<6400xi32, #tpu.memory_space<hbm>>
      %dma_start3A_92 = arith.constant 0 : i32
      %dma_start3A_93 = tpu.memref_slice %arg6[%dma_start3A_92] : memref<6400xi32, #tpu.memory_space<vmem>> -> memref<6400xi32, #tpu.memory_space<vmem>>
      %dma_start3A_94 = tpu.memref_slice %arg2[%mul3A_2] : memref<204800xi32, #tpu.memory_space<hbm>> -> memref<6400xi32, #tpu.memory_space<hbm>>
      tpu.enqueue_dma source(%dma_start3A_94 : memref<6400xi32, #tpu.memory_space<hbm>>) target(%dma_start3A_93 : memref<6400xi32, #tpu.memory_space<vmem>>) target_semaphore(%run_scoped3A : memref<!tpu.dma_semaphore, #tpu.memory_space<semaphore_mem>>)
      %dma_wait3A_95 = arith.constant 0 : i32
      %dma_wait3A_96 = tpu.memref_slice %arg6[%dma_wait3A_95] : memref<6400xi32, #tpu.memory_space<vmem>> -> memref<6400xi32, #tpu.memory_space<vmem>>
      %dma_wait3A_97 = tpu.memref_slice %arg2[%mul3A_2] : memref<204800xi32, #tpu.memory_space<hbm>> -> memref<6400xi32, #tpu.memory_space<hbm>>
      %dma_wait3A_98 = arith.constant 0 : i32
      %dma_wait3A_99 = tpu.memref_slice %arg6[%dma_wait3A_98] : memref<6400xi32, #tpu.memory_space<vmem>> -> memref<6400xi32, #tpu.memory_space<vmem>>
      %dma_wait3A_100 = tpu.memref_slice %arg2[%mul3A_2] : memref<204800xi32, #tpu.memory_space<hbm>> -> memref<6400xi32, #tpu.memory_space<hbm>>
      tpu.wait_dma2 semaphore(%run_scoped3A : memref<!tpu.dma_semaphore, #tpu.memory_space<semaphore_mem>>) src(%dma_wait3A_100 : memref<6400xi32, #tpu.memory_space<hbm>>) dst(%dma_wait3A_99 : memref<6400xi32, #tpu.memory_space<vmem>>)
      tpu.yield
    }) : () -> ()
    "tpu.region"() ({
      %run_scoped3A = tpu.sem_alloc : memref<!tpu.dma_semaphore, #tpu.memory_space<semaphore_mem>>
      tpu.enqueue_dma source(%arg4 : memref<128xf32, #tpu.memory_space<hbm>>) target(%arg8 : memref<128xf32, #tpu.memory_space<vmem>>) target_semaphore(%run_scoped3A : memref<!tpu.dma_semaphore, #tpu.memory_space<semaphore_mem>>)
      tpu.wait_dma2 semaphore(%run_scoped3A : memref<!tpu.dma_semaphore, #tpu.memory_space<semaphore_mem>>) src(%arg4 : memref<128xf32, #tpu.memory_space<hbm>>) dst(%arg8 : memref<128xf32, #tpu.memory_space<vmem>>)
      tpu.yield
    }) : () -> ()
    %get3A = arith.constant 0 : index
    %get3A_3 = tpu.vector_load %arg8[%get3A] {strides = array<i32>} : memref<128xf32, #tpu.memory_space<vmem>>, vector<16xf32>,
    %get3A_4 = arith.constant 16 : index
    %get3A_5 = tpu.vector_load %arg8[%get3A_4] {strides = array<i32>} : memref<128xf32, #tpu.memory_space<vmem>>, vector<16xf32>,
    %get3A_6 = arith.constant 32 : index
    %get3A_7 = tpu.vector_load %arg8[%get3A_6] {strides = array<i32>} : memref<128xf32, #tpu.memory_space<vmem>>, vector<16xf32>,
    %get3A_8 = arith.constant 48 : index
    %get3A_9 = tpu.vector_load %arg8[%get3A_8] {strides = array<i32>} : memref<128xf32, #tpu.memory_space<vmem>>, vector<16xf32>,
    %get3A_10 = arith.constant 64 : index
    %get3A_11 = tpu.vector_load %arg8[%get3A_10] {strides = array<i32>} : memref<128xf32, #tpu.memory_space<vmem>>, vector<16xf32>,
    %get3A_12 = arith.constant 80 : index
    %get3A_13 = tpu.vector_load %arg8[%get3A_12] {strides = array<i32>} : memref<128xf32, #tpu.memory_space<vmem>>, vector<16xf32>,
    %get3A_14 = arith.constant 96 : index
    %get3A_15 = tpu.vector_load %arg8[%get3A_14] {strides = array<i32>} : memref<128xf32, #tpu.memory_space<vmem>>, vector<16xf32>,
    %get3A_16 = arith.constant 112 : index
    %get3A_17 = tpu.vector_load %arg8[%get3A_16] {strides = array<i32>} : memref<128xf32, #tpu.memory_space<vmem>>, vector<16xf32>,
    %iota3A = tpu.iota {dimensions = array<i32: 0>} : vector<16xi32>
    %jit3A = arith.constant 4 : i32
    %div3A = vector.broadcast %jit3A : i32 to vector<16xi32>
    %div3A_18 = arith.divsi %iota3A, %div3A : vector<16xi32>
    %sign3A = arith.constant 0 : i32
    %sign3A_19 = vector.broadcast %sign3A : i32 to vector<16xi32>
    %sign3A_20 = arith.cmpi sgt, %iota3A, %sign3A_19 : vector<16xi32>
    %sign3A_21 = arith.extui %sign3A_20 : vector<16xi1> to vector<16xi32>
    %sign3A_22 = arith.constant 0 : i32
    %sign3A_23 = vector.broadcast %sign3A_22 : i32 to vector<16xi32>
    %sign3A_24 = arith.cmpi slt, %iota3A, %sign3A_23 : vector<16xi32>
    %sign3A_25 = arith.extui %sign3A_24 : vector<16xi1> to vector<16xi32>
    %sign3A_26 = arith.subi %sign3A_21, %sign3A_25 : vector<16xi32>
    %sign3A_27 = arith.constant 0 : i32
    %sign3A_28 = arith.cmpi sgt, %jit3A, %sign3A_27 : i32
    %sign3A_29 = arith.extui %sign3A_28 : i1 to i32
    %sign3A_30 = arith.constant 0 : i32
    %sign3A_31 = arith.cmpi slt, %jit3A, %sign3A_30 : i32
    %sign3A_32 = arith.extui %sign3A_31 : i1 to i32
    %sign3A_33 = arith.subi %sign3A_29, %sign3A_32 : i32
    %ne3A = vector.broadcast %sign3A_33 : i32 to vector<16xi32>
    %ne3A_34 = arith.cmpi ne, %sign3A_26, %ne3A : vector<16xi32>
    %rem3A = vector.broadcast %jit3A : i32 to vector<16xi32>
    %rem3A_35 = arith.remsi %iota3A, %rem3A : vector<16xi32>
    %ne3A_36 = arith.constant 0 : i32
    %ne3A_37 = vector.broadcast %ne3A_36 : i32 to vector<16xi32>
    %ne3A_38 = arith.cmpi ne, %rem3A_35, %ne3A_37 : vector<16xi32>
    %and3A = arith.andi %ne3A_34, %ne3A_38 : vector<16xi1>
    %sub3A = arith.constant 1 : i32
    %sub3A_39 = vector.broadcast %sub3A : i32 to vector<16xi32>
    %sub3A_40 = arith.subi %div3A_18, %sub3A_39 : vector<16xi32>
    %select_n3A = arith.select %and3A, %sub3A_40, %div3A_18 : vector<16xi1>, vector<16xi32>
    %add3A_41 = arith.constant 0 : i32
    %add3A_42 = vector.broadcast %add3A_41 : i32 to vector<16xi32>
    %add3A_43 = arith.addi %select_n3A, %add3A_42 : vector<16xi32>
    %add3A_44 = arith.constant 4 : i32
    %add3A_45 = vector.broadcast %add3A_44 : i32 to vector<16xi32>
    %add3A_46 = arith.addi %select_n3A, %add3A_45 : vector<16xi32>
    %add3A_47 = arith.constant 8 : i32
    %add3A_48 = vector.broadcast %add3A_47 : i32 to vector<16xi32>
    %add3A_49 = arith.addi %select_n3A, %add3A_48 : vector<16xi32>
    %add3A_50 = arith.constant 12 : i32
    %add3A_51 = vector.broadcast %add3A_50 : i32 to vector<16xi32>
    %add3A_52 = arith.addi %select_n3A, %add3A_51 : vector<16xi32>
    %add3A_53 = arith.constant 16 : i32
    %add3A_54 = vector.broadcast %add3A_53 : i32 to vector<16xi32>
    %add3A_55 = arith.addi %select_n3A, %add3A_54 : vector<16xi32>
    %add3A_56 = arith.constant 20 : i32
    %add3A_57 = vector.broadcast %add3A_56 : i32 to vector<16xi32>
    %add3A_58 = arith.addi %select_n3A, %add3A_57 : vector<16xi32>
    %add3A_59 = arith.constant 24 : i32
    %add3A_60 = vector.broadcast %add3A_59 : i32 to vector<16xi32>
    %add3A_61 = arith.addi %select_n3A, %add3A_60 : vector<16xi32>
    %add3A_62 = arith.constant 28 : i32
    %add3A_63 = vector.broadcast %add3A_62 : i32 to vector<16xi32>
    %add3A_64 = arith.addi %select_n3A, %add3A_63 : vector<16xi32>
    %parallel_loop3A = arith.constant 0 : i32
    %parallel_loop3A_65 = arith.constant 400 : i32
    %parallel_loop3A_66 = arith.constant 1 : i32
    scf.for %parallel_loop3A_89 = %parallel_loop3A to %parallel_loop3A_65 step %parallel_loop3A_66  : i32 {
      %parallel_loop3A_90 = arith.constant 16 : i32
      %parallel_loop3A_91 = arith.muli %parallel_loop3A_89, %parallel_loop3A_90 : i32
      %parallel_loop3A_92 = arith.index_cast %parallel_loop3A_91 : i32 to index
      %parallel_loop3A_93 = tpu.vector_load %arg6[%parallel_loop3A_92] {strides = array<i32>} : memref<6400xi32, #tpu.memory_space<vmem>>, vector<16xi32>,
      %parallel_loop3A_94 = arith.constant 250112 : i32
      %parallel_loop3A_95 = vector.broadcast %parallel_loop3A_94 : i32 to vector<16xi32>
      %parallel_loop3A_96 = arith.cmpi sge, %parallel_loop3A_93, %parallel_loop3A_95 : vector<16xi32>
      %parallel_loop3A_97 = arith.extui %parallel_loop3A_96 : vector<16xi1> to vector<16xi32>
      %parallel_loop3A_98 = arith.constant 500224 : i32
      %parallel_loop3A_99 = vector.broadcast %parallel_loop3A_98 : i32 to vector<16xi32>
      %parallel_loop3A_100 = arith.cmpi sge, %parallel_loop3A_93, %parallel_loop3A_99 : vector<16xi32>
      %parallel_loop3A_101 = arith.extui %parallel_loop3A_100 : vector<16xi1> to vector<16xi32>
      %parallel_loop3A_102 = arith.addi %parallel_loop3A_97, %parallel_loop3A_101 : vector<16xi32>
      %parallel_loop3A_103 = arith.constant 750336 : i32
      %parallel_loop3A_104 = vector.broadcast %parallel_loop3A_103 : i32 to vector<16xi32>
      %parallel_loop3A_105 = arith.cmpi sge, %parallel_loop3A_93, %parallel_loop3A_104 : vector<16xi32>
      %parallel_loop3A_106 = arith.extui %parallel_loop3A_105 : vector<16xi1> to vector<16xi32>
      %parallel_loop3A_107 = arith.addi %parallel_loop3A_102, %parallel_loop3A_106 : vector<16xi32>
      %parallel_loop3A_108 = arith.constant 250112 : i32
      %parallel_loop3A_109 = vector.broadcast %parallel_loop3A_108 : i32 to vector<16xi32>
      %parallel_loop3A_110 = arith.muli %parallel_loop3A_107, %parallel_loop3A_109 : vector<16xi32>
      %parallel_loop3A_111 = arith.subi %parallel_loop3A_93, %parallel_loop3A_110 : vector<16xi32>
      %parallel_loop3A_112 = arith.constant 4 : i32
      %parallel_loop3A_113 = vector.broadcast %parallel_loop3A_112 : i32 to vector<16xi32>
      %parallel_loop3A_114 = arith.muli %parallel_loop3A_111, %parallel_loop3A_113 : vector<16xi32>
      %parallel_loop3A_115 = arith.addi %parallel_loop3A_114, %parallel_loop3A_107 : vector<16xi32>
      %parallel_loop3A_116 = arith.constant 16 : i32
      %parallel_loop3A_117 = arith.muli %parallel_loop3A_89, %parallel_loop3A_116 : i32
      %parallel_loop3A_118 = arith.index_cast %parallel_loop3A_117 : i32 to index
      %parallel_loop3A_119 = tpu.vector_load %arg7[%parallel_loop3A_118] {strides = array<i32>} : memref<6400xi32, #tpu.memory_space<vmem>>, vector<16xi32>,
      tpu.vector_store %arg7[%parallel_loop3A_118], %parallel_loop3A_115 {strides = array<i32>} : memref<6400xi32, #tpu.memory_space<vmem>>, vector<16xi32>,
    } {sc.loop_unroll_factor = 8 : i64, sc.parallel_access}
    %dma_start3A = arith.constant 0 : i32
    %dma_start3A_67 = tpu.memref_slice %arg7[%dma_start3A] : memref<6400xi32, #tpu.memory_space<vmem>> -> memref<128xi32, #tpu.memory_space<vmem>>
    %dma_start3A_68 = arith.constant 0 : i32
    %dma_start3A_69 = arith.constant 0 : i32
    %dma_start3A_70 = tpu.memref_slice %arg3[%dma_start3A_68, %dma_start3A_69] : memref<1000448x32xf32, #tpu.memory_space<hbm>> -> memref<1000448x32xf32, #tpu.memory_space<hbm>>
    tpu.enqueue_indirect_dma source(%dma_start3A_70 : memref<1000448x32xf32, #tpu.memory_space<hbm>>) target(%arg9 : memref<128x32xf32, #tpu.memory_space<vmem>>) offsets(%dma_start3A_67 : memref<128xi32, #tpu.memory_space<vmem>>) semaphore(%arg13 : memref<!tpu.dma_semaphore, #tpu.memory_space<semaphore_mem>>)
    %dma_start3A_71 = arith.constant 128 : i32
    %dma_start3A_72 = tpu.memref_slice %arg7[%dma_start3A_71] : memref<6400xi32, #tpu.memory_space<vmem>> -> memref<128xi32, #tpu.memory_space<vmem>>
    %dma_start3A_73 = arith.constant 0 : i32
    %dma_start3A_74 = arith.constant 0 : i32
    %dma_start3A_75 = tpu.memref_slice %arg3[%dma_start3A_73, %dma_start3A_74] : memref<1000448x32xf32, #tpu.memory_space<hbm>> -> memref<1000448x32xf32, #tpu.memory_space<hbm>>
    tpu.enqueue_indirect_dma source(%dma_start3A_75 : memref<1000448x32xf32, #tpu.memory_space<hbm>>) target(%arg10 : memref<128x32xf32, #tpu.memory_space<vmem>>) offsets(%dma_start3A_72 : memref<128xi32, #tpu.memory_space<vmem>>) semaphore(%arg14 : memref<!tpu.dma_semaphore, #tpu.memory_space<semaphore_mem>>)
    %scan3A = arith.constant 0 : i32
    %scan3A_76 = arith.constant 0 : i32
    %scan3A_77 = arith.constant 25 : i32
    %scan3A_78 = arith.addi %scan3A_76, %scan3A_77 : i32
    %scan3A_79 = arith.constant 1 : i32
    %scan3A_80 = scf.for %scan3A_89 = %scan3A_76 to %scan3A_78 step %scan3A_79 iter_args(%scan3A_90 = %scan3A) -> (i32)  : i32 {
      %mul3A_91 = arith.constant 2 : i32
      %mul3A_92 = arith.muli %scan3A_89, %mul3A_91 : i32
      %add3A_93 = arith.constant 0 : i32
      %add3A_94 = arith.addi %mul3A_92, %add3A_93 : i32
      %dma_wait3A_95 = arith.constant 0 : i32
      %dma_wait3A_96 = arith.constant 0 : i32
      %dma_wait3A_97 = tpu.memref_slice %arg3[%dma_wait3A_95, %dma_wait3A_96] : memref<1000448x32xf32, #tpu.memory_space<hbm>> -> memref<128x32xf32, #tpu.memory_space<hbm>>
      %dma_wait3A_98 = arith.constant 0 : i32
      %dma_wait3A_99 = arith.constant 0 : i32
      %dma_wait3A_100 = tpu.memref_slice %arg3[%dma_wait3A_98, %dma_wait3A_99] : memref<1000448x32xf32, #tpu.memory_space<hbm>> -> memref<128x32xf32, #tpu.memory_space<hbm>>
      tpu.wait_dma2 semaphore(%arg13 : memref<!tpu.dma_semaphore, #tpu.memory_space<semaphore_mem>>) src(%dma_wait3A_100 : memref<128x32xf32, #tpu.memory_space<hbm>>) dst(%arg9 : memref<128x32xf32, #tpu.memory_space<vmem>>)
      %ge3A = arith.constant 1 : i32
      %ge3A_101 = arith.cmpi sge, %scan3A_89, %ge3A : i32
      %convert_element_type3A = arith.extui %ge3A_101 : i1 to i32
      %cond3A = arith.constant 0 : i32
      %cond3A_102 = arith.cmpi ne, %convert_element_type3A, %cond3A : i32
      scf.if %cond3A_102 {
        %dma_wait3A_152 = arith.constant 0 : i32
        %dma_wait3A_153 = tpu.memref_slice %arg5[%mul3A_2, %dma_wait3A_152] : memref<204800x128xf32, #tpu.memory_space<hbm>> -> memref<128x128xf32, #tpu.memory_space<hbm>>
        %dma_wait3A_154 = arith.constant 0 : i32
        %dma_wait3A_155 = tpu.memref_slice %arg5[%mul3A_2, %dma_wait3A_154] : memref<204800x128xf32, #tpu.memory_space<hbm>> -> memref<128x128xf32, #tpu.memory_space<hbm>>
        tpu.wait_dma2 semaphore(%arg15 : memref<!tpu.dma_semaphore, #tpu.memory_space<semaphore_mem>>) src(%arg11 : memref<128x128xf32, #tpu.memory_space<vmem>>) dst(%dma_wait3A_155 : memref<128x128xf32, #tpu.memory_space<hbm>>)
      } else {
      }
      %parallel_loop3A_103 = arith.constant 0 : i32
      %parallel_loop3A_104 = arith.constant 128 : i32
      %parallel_loop3A_105 = arith.constant 1 : i32
      scf.for %parallel_loop3A_152 = %parallel_loop3A_103 to %parallel_loop3A_104 step %parallel_loop3A_105  : i32 {
        %parallel_loop3A_153 = vector.broadcast %parallel_loop3A_152 : i32 to vector<16xi32>
        %parallel_loop3A_154 = tpu.vector_load_idx %arg9[%parallel_loop3A_153, %add3A_43] : memref<128x32xf32, #tpu.memory_space<vmem>>[vector<16xi32>, vector<16xi32>], vector<16xf32>,
        %parallel_loop3A_155 = arith.mulf %parallel_loop3A_154, %get3A_3 : vector<16xf32>
        %parallel_loop3A_156 = arith.index_cast %parallel_loop3A_152 : i32 to index
        %parallel_loop3A_157 = arith.constant 0 : index
        %parallel_loop3A_158 = tpu.vector_load %arg11[%parallel_loop3A_156, %parallel_loop3A_157] {strides = array<i32>} : memref<128x128xf32, #tpu.memory_space<vmem>>, vector<16xf32>,
        tpu.vector_store %arg11[%parallel_loop3A_156, %parallel_loop3A_157], %parallel_loop3A_155 {strides = array<i32>} : memref<128x128xf32, #tpu.memory_space<vmem>>, vector<16xf32>,
        %parallel_loop3A_159 = tpu.vector_load_idx %arg9[%parallel_loop3A_153, %add3A_46] : memref<128x32xf32, #tpu.memory_space<vmem>>[vector<16xi32>, vector<16xi32>], vector<16xf32>,
        %parallel_loop3A_160 = arith.mulf %parallel_loop3A_159, %get3A_5 : vector<16xf32>
        %parallel_loop3A_161 = arith.index_cast %parallel_loop3A_152 : i32 to index
        %parallel_loop3A_162 = arith.constant 16 : index
        %parallel_loop3A_163 = tpu.vector_load %arg11[%parallel_loop3A_161, %parallel_loop3A_162] {strides = array<i32>} : memref<128x128xf32, #tpu.memory_space<vmem>>, vector<16xf32>,
        tpu.vector_store %arg11[%parallel_loop3A_161, %parallel_loop3A_162], %parallel_loop3A_160 {strides = array<i32>} : memref<128x128xf32, #tpu.memory_space<vmem>>, vector<16xf32>,
        %parallel_loop3A_164 = tpu.vector_load_idx %arg9[%parallel_loop3A_153, %add3A_49] : memref<128x32xf32, #tpu.memory_space<vmem>>[vector<16xi32>, vector<16xi32>], vector<16xf32>,
        %parallel_loop3A_165 = arith.mulf %parallel_loop3A_164, %get3A_7 : vector<16xf32>
        %parallel_loop3A_166 = arith.index_cast %parallel_loop3A_152 : i32 to index
        %parallel_loop3A_167 = arith.constant 32 : index
        %parallel_loop3A_168 = tpu.vector_load %arg11[%parallel_loop3A_166, %parallel_loop3A_167] {strides = array<i32>} : memref<128x128xf32, #tpu.memory_space<vmem>>, vector<16xf32>,
        tpu.vector_store %arg11[%parallel_loop3A_166, %parallel_loop3A_167], %parallel_loop3A_165 {strides = array<i32>} : memref<128x128xf32, #tpu.memory_space<vmem>>, vector<16xf32>,
        %parallel_loop3A_169 = tpu.vector_load_idx %arg9[%parallel_loop3A_153, %add3A_52] : memref<128x32xf32, #tpu.memory_space<vmem>>[vector<16xi32>, vector<16xi32>], vector<16xf32>,
        %parallel_loop3A_170 = arith.mulf %parallel_loop3A_169, %get3A_9 : vector<16xf32>
        %parallel_loop3A_171 = arith.index_cast %parallel_loop3A_152 : i32 to index
        %parallel_loop3A_172 = arith.constant 48 : index
        %parallel_loop3A_173 = tpu.vector_load %arg11[%parallel_loop3A_171, %parallel_loop3A_172] {strides = array<i32>} : memref<128x128xf32, #tpu.memory_space<vmem>>, vector<16xf32>,
        tpu.vector_store %arg11[%parallel_loop3A_171, %parallel_loop3A_172], %parallel_loop3A_170 {strides = array<i32>} : memref<128x128xf32, #tpu.memory_space<vmem>>, vector<16xf32>,
        %parallel_loop3A_174 = tpu.vector_load_idx %arg9[%parallel_loop3A_153, %add3A_55] : memref<128x32xf32, #tpu.memory_space<vmem>>[vector<16xi32>, vector<16xi32>], vector<16xf32>,
        %parallel_loop3A_175 = arith.mulf %parallel_loop3A_174, %get3A_11 : vector<16xf32>
        %parallel_loop3A_176 = arith.index_cast %parallel_loop3A_152 : i32 to index
        %parallel_loop3A_177 = arith.constant 64 : index
        %parallel_loop3A_178 = tpu.vector_load %arg11[%parallel_loop3A_176, %parallel_loop3A_177] {strides = array<i32>} : memref<128x128xf32, #tpu.memory_space<vmem>>, vector<16xf32>,
        tpu.vector_store %arg11[%parallel_loop3A_176, %parallel_loop3A_177], %parallel_loop3A_175 {strides = array<i32>} : memref<128x128xf32, #tpu.memory_space<vmem>>, vector<16xf32>,
        %parallel_loop3A_179 = tpu.vector_load_idx %arg9[%parallel_loop3A_153, %add3A_58] : memref<128x32xf32, #tpu.memory_space<vmem>>[vector<16xi32>, vector<16xi32>], vector<16xf32>,
        %parallel_loop3A_180 = arith.mulf %parallel_loop3A_179, %get3A_13 : vector<16xf32>
        %parallel_loop3A_181 = arith.index_cast %parallel_loop3A_152 : i32 to index
        %parallel_loop3A_182 = arith.constant 80 : index
        %parallel_loop3A_183 = tpu.vector_load %arg11[%parallel_loop3A_181, %parallel_loop3A_182] {strides = array<i32>} : memref<128x128xf32, #tpu.memory_space<vmem>>, vector<16xf32>,
        tpu.vector_store %arg11[%parallel_loop3A_181, %parallel_loop3A_182], %parallel_loop3A_180 {strides = array<i32>} : memref<128x128xf32, #tpu.memory_space<vmem>>, vector<16xf32>,
        %parallel_loop3A_184 = tpu.vector_load_idx %arg9[%parallel_loop3A_153, %add3A_61] : memref<128x32xf32, #tpu.memory_space<vmem>>[vector<16xi32>, vector<16xi32>], vector<16xf32>,
        %parallel_loop3A_185 = arith.mulf %parallel_loop3A_184, %get3A_15 : vector<16xf32>
        %parallel_loop3A_186 = arith.index_cast %parallel_loop3A_152 : i32 to index
        %parallel_loop3A_187 = arith.constant 96 : index
        %parallel_loop3A_188 = tpu.vector_load %arg11[%parallel_loop3A_186, %parallel_loop3A_187] {strides = array<i32>} : memref<128x128xf32, #tpu.memory_space<vmem>>, vector<16xf32>,
        tpu.vector_store %arg11[%parallel_loop3A_186, %parallel_loop3A_187], %parallel_loop3A_185 {strides = array<i32>} : memref<128x128xf32, #tpu.memory_space<vmem>>, vector<16xf32>,
        %parallel_loop3A_189 = tpu.vector_load_idx %arg9[%parallel_loop3A_153, %add3A_64] : memref<128x32xf32, #tpu.memory_space<vmem>>[vector<16xi32>, vector<16xi32>], vector<16xf32>,
        %parallel_loop3A_190 = arith.mulf %parallel_loop3A_189, %get3A_17 : vector<16xf32>
        %parallel_loop3A_191 = arith.index_cast %parallel_loop3A_152 : i32 to index
        %parallel_loop3A_192 = arith.constant 112 : index
        %parallel_loop3A_193 = tpu.vector_load %arg11[%parallel_loop3A_191, %parallel_loop3A_192] {strides = array<i32>} : memref<128x128xf32, #tpu.memory_space<vmem>>, vector<16xf32>,
        tpu.vector_store %arg11[%parallel_loop3A_191, %parallel_loop3A_192], %parallel_loop3A_190 {strides = array<i32>} : memref<128x128xf32, #tpu.memory_space<vmem>>, vector<16xf32>,
      } {sc.loop_unroll_factor = 4 : i64, sc.parallel_access}
      %mul3A_106 = arith.constant 128 : i32
      %mul3A_107 = arith.muli %add3A_94, %mul3A_106 : i32
      %add3A_108 = arith.addi %mul3A_2, %mul3A_107 : i32
      %dma_start3A_109 = arith.constant 0 : i32
      %dma_start3A_110 = tpu.memref_slice %arg5[%add3A_108, %dma_start3A_109] : memref<204800x128xf32, #tpu.memory_space<hbm>> -> memref<128x128xf32, #tpu.memory_space<hbm>>
      %dma_start3A_111 = arith.constant 0 : i32
      %dma_start3A_112 = tpu.memref_slice %arg5[%add3A_108, %dma_start3A_111] : memref<204800x128xf32, #tpu.memory_space<hbm>> -> memref<128x128xf32, #tpu.memory_space<hbm>>
      tpu.enqueue_dma source(%arg11 : memref<128x128xf32, #tpu.memory_space<vmem>>) target(%dma_start3A_112 : memref<128x128xf32, #tpu.memory_space<hbm>>) target_semaphore(%arg15 : memref<!tpu.dma_semaphore, #tpu.memory_space<semaphore_mem>>)
      %add3A_113 = arith.constant 2 : i32
      %add3A_114 = arith.addi %add3A_94, %add3A_113 : i32
      %lt3A = arith.constant 50 : i32
      %lt3A_115 = arith.cmpi slt, %add3A_114, %lt3A : i32
      %convert_element_type3A_116 = arith.extui %lt3A_115 : i1 to i32
      %cond3A_117 = arith.constant 0 : i32
      %cond3A_118 = arith.cmpi ne, %convert_element_type3A_116, %cond3A_117 : i32
      scf.if %cond3A_118 {
        %add3A_152 = arith.constant 2 : i32
        %add3A_153 = arith.addi %add3A_94, %add3A_152 : i32
        %mul3A_154 = arith.constant 128 : i32
        %mul3A_155 = arith.muli %add3A_153, %mul3A_154 : i32
        %dma_start3A_156 = tpu.memref_slice %arg7[%mul3A_155] : memref<6400xi32, #tpu.memory_space<vmem>> -> memref<128xi32, #tpu.memory_space<vmem>>
        %dma_start3A_157 = arith.constant 0 : i32
        %dma_start3A_158 = arith.constant 0 : i32
        %dma_start3A_159 = tpu.memref_slice %arg3[%dma_start3A_157, %dma_start3A_158] : memref<1000448x32xf32, #tpu.memory_space<hbm>> -> memref<1000448x32xf32, #tpu.memory_space<hbm>>
        tpu.enqueue_indirect_dma source(%dma_start3A_159 : memref<1000448x32xf32, #tpu.memory_space<hbm>>) target(%arg9 : memref<128x32xf32, #tpu.memory_space<vmem>>) offsets(%dma_start3A_156 : memref<128xi32, #tpu.memory_space<vmem>>) semaphore(%arg13 : memref<!tpu.dma_semaphore, #tpu.memory_space<semaphore_mem>>)
      } else {
      }
      %mul3A_119 = arith.constant 2 : i32
      %mul3A_120 = arith.muli %scan3A_89, %mul3A_119 : i32
      %add3A_121 = arith.constant 1 : i32
      %add3A_122 = arith.addi %mul3A_120, %add3A_121 : i32
      %dma_wait3A_123 = arith.constant 0 : i32
      %dma_wait3A_124 = arith.constant 0 : i32
      %dma_wait3A_125 = tpu.memref_slice %arg3[%dma_wait3A_123, %dma_wait3A_124] : memref<1000448x32xf32, #tpu.memory_space<hbm>> -> memref<128x32xf32, #tpu.memory_space<hbm>>
      %dma_wait3A_126 = arith.constant 0 : i32
      %dma_wait3A_127 = arith.constant 0 : i32
      %dma_wait3A_128 = tpu.memref_slice %arg3[%dma_wait3A_126, %dma_wait3A_127] : memref<1000448x32xf32, #tpu.memory_space<hbm>> -> memref<128x32xf32, #tpu.memory_space<hbm>>
      tpu.wait_dma2 semaphore(%arg14 : memref<!tpu.dma_semaphore, #tpu.memory_space<semaphore_mem>>) src(%dma_wait3A_128 : memref<128x32xf32, #tpu.memory_space<hbm>>) dst(%arg10 : memref<128x32xf32, #tpu.memory_space<vmem>>)
      %ge3A_129 = arith.constant 1 : i32
      %ge3A_130 = arith.cmpi sge, %scan3A_89, %ge3A_129 : i32
      %convert_element_type3A_131 = arith.extui %ge3A_130 : i1 to i32
      %cond3A_132 = arith.constant 0 : i32
      %cond3A_133 = arith.cmpi ne, %convert_element_type3A_131, %cond3A_132 : i32
      scf.if %cond3A_133 {
        %dma_wait3A_152 = arith.constant 0 : i32
        %dma_wait3A_153 = tpu.memref_slice %arg5[%mul3A_2, %dma_wait3A_152] : memref<204800x128xf32, #tpu.memory_space<hbm>> -> memref<128x128xf32, #tpu.memory_space<hbm>>
        %dma_wait3A_154 = arith.constant 0 : i32
        %dma_wait3A_155 = tpu.memref_slice %arg5[%mul3A_2, %dma_wait3A_154] : memref<204800x128xf32, #tpu.memory_space<hbm>> -> memref<128x128xf32, #tpu.memory_space<hbm>>
        tpu.wait_dma2 semaphore(%arg16 : memref<!tpu.dma_semaphore, #tpu.memory_space<semaphore_mem>>) src(%arg12 : memref<128x128xf32, #tpu.memory_space<vmem>>) dst(%dma_wait3A_155 : memref<128x128xf32, #tpu.memory_space<hbm>>)
      } else {
      }
      %parallel_loop3A_134 = arith.constant 0 : i32
      %parallel_loop3A_135 = arith.constant 128 : i32
      %parallel_loop3A_136 = arith.constant 1 : i32
      scf.for %parallel_loop3A_152 = %parallel_loop3A_134 to %parallel_loop3A_135 step %parallel_loop3A_136  : i32 {
        %parallel_loop3A_153 = vector.broadcast %parallel_loop3A_152 : i32 to vector<16xi32>
        %parallel_loop3A_154 = tpu.vector_load_idx %arg10[%parallel_loop3A_153, %add3A_43] : memref<128x32xf32, #tpu.memory_space<vmem>>[vector<16xi32>, vector<16xi32>], vector<16xf32>,
        %parallel_loop3A_155 = arith.mulf %parallel_loop3A_154, %get3A_3 : vector<16xf32>
        %parallel_loop3A_156 = arith.index_cast %parallel_loop3A_152 : i32 to index
        %parallel_loop3A_157 = arith.constant 0 : index
        %parallel_loop3A_158 = tpu.vector_load %arg12[%parallel_loop3A_156, %parallel_loop3A_157] {strides = array<i32>} : memref<128x128xf32, #tpu.memory_space<vmem>>, vector<16xf32>,
        tpu.vector_store %arg12[%parallel_loop3A_156, %parallel_loop3A_157], %parallel_loop3A_155 {strides = array<i32>} : memref<128x128xf32, #tpu.memory_space<vmem>>, vector<16xf32>,
        %parallel_loop3A_159 = tpu.vector_load_idx %arg10[%parallel_loop3A_153, %add3A_46] : memref<128x32xf32, #tpu.memory_space<vmem>>[vector<16xi32>, vector<16xi32>], vector<16xf32>,
        %parallel_loop3A_160 = arith.mulf %parallel_loop3A_159, %get3A_5 : vector<16xf32>
        %parallel_loop3A_161 = arith.index_cast %parallel_loop3A_152 : i32 to index
        %parallel_loop3A_162 = arith.constant 16 : index
        %parallel_loop3A_163 = tpu.vector_load %arg12[%parallel_loop3A_161, %parallel_loop3A_162] {strides = array<i32>} : memref<128x128xf32, #tpu.memory_space<vmem>>, vector<16xf32>,
        tpu.vector_store %arg12[%parallel_loop3A_161, %parallel_loop3A_162], %parallel_loop3A_160 {strides = array<i32>} : memref<128x128xf32, #tpu.memory_space<vmem>>, vector<16xf32>,
        %parallel_loop3A_164 = tpu.vector_load_idx %arg10[%parallel_loop3A_153, %add3A_49] : memref<128x32xf32, #tpu.memory_space<vmem>>[vector<16xi32>, vector<16xi32>], vector<16xf32>,
        %parallel_loop3A_165 = arith.mulf %parallel_loop3A_164, %get3A_7 : vector<16xf32>
        %parallel_loop3A_166 = arith.index_cast %parallel_loop3A_152 : i32 to index
        %parallel_loop3A_167 = arith.constant 32 : index
        %parallel_loop3A_168 = tpu.vector_load %arg12[%parallel_loop3A_166, %parallel_loop3A_167] {strides = array<i32>} : memref<128x128xf32, #tpu.memory_space<vmem>>, vector<16xf32>,
        tpu.vector_store %arg12[%parallel_loop3A_166, %parallel_loop3A_167], %parallel_loop3A_165 {strides = array<i32>} : memref<128x128xf32, #tpu.memory_space<vmem>>, vector<16xf32>,
        %parallel_loop3A_169 = tpu.vector_load_idx %arg10[%parallel_loop3A_153, %add3A_52] : memref<128x32xf32, #tpu.memory_space<vmem>>[vector<16xi32>, vector<16xi32>], vector<16xf32>,
        %parallel_loop3A_170 = arith.mulf %parallel_loop3A_169, %get3A_9 : vector<16xf32>
        %parallel_loop3A_171 = arith.index_cast %parallel_loop3A_152 : i32 to index
        %parallel_loop3A_172 = arith.constant 48 : index
        %parallel_loop3A_173 = tpu.vector_load %arg12[%parallel_loop3A_171, %parallel_loop3A_172] {strides = array<i32>} : memref<128x128xf32, #tpu.memory_space<vmem>>, vector<16xf32>,
        tpu.vector_store %arg12[%parallel_loop3A_171, %parallel_loop3A_172], %parallel_loop3A_170 {strides = array<i32>} : memref<128x128xf32, #tpu.memory_space<vmem>>, vector<16xf32>,
        %parallel_loop3A_174 = tpu.vector_load_idx %arg10[%parallel_loop3A_153, %add3A_55] : memref<128x32xf32, #tpu.memory_space<vmem>>[vector<16xi32>, vector<16xi32>], vector<16xf32>,
        %parallel_loop3A_175 = arith.mulf %parallel_loop3A_174, %get3A_11 : vector<16xf32>
        %parallel_loop3A_176 = arith.index_cast %parallel_loop3A_152 : i32 to index
        %parallel_loop3A_177 = arith.constant 64 : index
        %parallel_loop3A_178 = tpu.vector_load %arg12[%parallel_loop3A_176, %parallel_loop3A_177] {strides = array<i32>} : memref<128x128xf32, #tpu.memory_space<vmem>>, vector<16xf32>,
        tpu.vector_store %arg12[%parallel_loop3A_176, %parallel_loop3A_177], %parallel_loop3A_175 {strides = array<i32>} : memref<128x128xf32, #tpu.memory_space<vmem>>, vector<16xf32>,
        %parallel_loop3A_179 = tpu.vector_load_idx %arg10[%parallel_loop3A_153, %add3A_58] : memref<128x32xf32, #tpu.memory_space<vmem>>[vector<16xi32>, vector<16xi32>], vector<16xf32>,
        %parallel_loop3A_180 = arith.mulf %parallel_loop3A_179, %get3A_13 : vector<16xf32>
        %parallel_loop3A_181 = arith.index_cast %parallel_loop3A_152 : i32 to index
        %parallel_loop3A_182 = arith.constant 80 : index
        %parallel_loop3A_183 = tpu.vector_load %arg12[%parallel_loop3A_181, %parallel_loop3A_182] {strides = array<i32>} : memref<128x128xf32, #tpu.memory_space<vmem>>, vector<16xf32>,
        tpu.vector_store %arg12[%parallel_loop3A_181, %parallel_loop3A_182], %parallel_loop3A_180 {strides = array<i32>} : memref<128x128xf32, #tpu.memory_space<vmem>>, vector<16xf32>,
        %parallel_loop3A_184 = tpu.vector_load_idx %arg10[%parallel_loop3A_153, %add3A_61] : memref<128x32xf32, #tpu.memory_space<vmem>>[vector<16xi32>, vector<16xi32>], vector<16xf32>,
        %parallel_loop3A_185 = arith.mulf %parallel_loop3A_184, %get3A_15 : vector<16xf32>
        %parallel_loop3A_186 = arith.index_cast %parallel_loop3A_152 : i32 to index
        %parallel_loop3A_187 = arith.constant 96 : index
        %parallel_loop3A_188 = tpu.vector_load %arg12[%parallel_loop3A_186, %parallel_loop3A_187] {strides = array<i32>} : memref<128x128xf32, #tpu.memory_space<vmem>>, vector<16xf32>,
        tpu.vector_store %arg12[%parallel_loop3A_186, %parallel_loop3A_187], %parallel_loop3A_185 {strides = array<i32>} : memref<128x128xf32, #tpu.memory_space<vmem>>, vector<16xf32>,
        %parallel_loop3A_189 = tpu.vector_load_idx %arg10[%parallel_loop3A_153, %add3A_64] : memref<128x32xf32, #tpu.memory_space<vmem>>[vector<16xi32>, vector<16xi32>], vector<16xf32>,
        %parallel_loop3A_190 = arith.mulf %parallel_loop3A_189, %get3A_17 : vector<16xf32>
        %parallel_loop3A_191 = arith.index_cast %parallel_loop3A_152 : i32 to index
        %parallel_loop3A_192 = arith.constant 112 : index
        %parallel_loop3A_193 = tpu.vector_load %arg12[%parallel_loop3A_191, %parallel_loop3A_192] {strides = array<i32>} : memref<128x128xf32, #tpu.memory_space<vmem>>, vector<16xf32>,
        tpu.vector_store %arg12[%parallel_loop3A_191, %parallel_loop3A_192], %parallel_loop3A_190 {strides = array<i32>} : memref<128x128xf32, #tpu.memory_space<vmem>>, vector<16xf32>,
      } {sc.loop_unroll_factor = 4 : i64, sc.parallel_access}
      %mul3A_137 = arith.constant 128 : i32
      %mul3A_138 = arith.muli %add3A_122, %mul3A_137 : i32
      %add3A_139 = arith.addi %mul3A_2, %mul3A_138 : i32
      %dma_start3A_140 = arith.constant 0 : i32
      %dma_start3A_141 = tpu.memref_slice %arg5[%add3A_139, %dma_start3A_140] : memref<204800x128xf32, #tpu.memory_space<hbm>> -> memref<128x128xf32, #tpu.memory_space<hbm>>
      %dma_start3A_142 = arith.constant 0 : i32
      %dma_start3A_143 = tpu.memref_slice %arg5[%add3A_139, %dma_start3A_142] : memref<204800x128xf32, #tpu.memory_space<hbm>> -> memref<128x128xf32, #tpu.memory_space<hbm>>
      tpu.enqueue_dma source(%arg12 : memref<128x128xf32, #tpu.memory_space<vmem>>) target(%dma_start3A_143 : memref<128x128xf32, #tpu.memory_space<hbm>>) target_semaphore(%arg16 : memref<!tpu.dma_semaphore, #tpu.memory_space<semaphore_mem>>)
      %add3A_144 = arith.constant 2 : i32
      %add3A_145 = arith.addi %add3A_122, %add3A_144 : i32
      %lt3A_146 = arith.constant 50 : i32
      %lt3A_147 = arith.cmpi slt, %add3A_145, %lt3A_146 : i32
      %convert_element_type3A_148 = arith.extui %lt3A_147 : i1 to i32
      %cond3A_149 = arith.constant 0 : i32
      %cond3A_150 = arith.cmpi ne, %convert_element_type3A_148, %cond3A_149 : i32
      scf.if %cond3A_150 {
        %add3A_152 = arith.constant 2 : i32
        %add3A_153 = arith.addi %add3A_122, %add3A_152 : i32
        %mul3A_154 = arith.constant 128 : i32
        %mul3A_155 = arith.muli %add3A_153, %mul3A_154 : i32
        %dma_start3A_156 = tpu.memref_slice %arg7[%mul3A_155] : memref<6400xi32, #tpu.memory_space<vmem>> -> memref<128xi32, #tpu.memory_space<vmem>>
        %dma_start3A_157 = arith.constant 0 : i32
        %dma_start3A_158 = arith.constant 0 : i32
        %dma_start3A_159 = tpu.memref_slice %arg3[%dma_start3A_157, %dma_start3A_158] : memref<1000448x32xf32, #tpu.memory_space<hbm>> -> memref<1000448x32xf32, #tpu.memory_space<hbm>>
        tpu.enqueue_indirect_dma source(%dma_start3A_159 : memref<1000448x32xf32, #tpu.memory_space<hbm>>) target(%arg10 : memref<128x32xf32, #tpu.memory_space<vmem>>) offsets(%dma_start3A_156 : memref<128xi32, #tpu.memory_space<vmem>>) semaphore(%arg14 : memref<!tpu.dma_semaphore, #tpu.memory_space<semaphore_mem>>)
      } else {
      }
      %scan3A_151 = arith.constant 0 : i32
      scf.yield %scan3A_151 : i32
    }
    %scan3A_81 = arith.constant 25 : i32
    %dma_wait3A = arith.constant 0 : i32
    %dma_wait3A_82 = tpu.memref_slice %arg5[%mul3A_2, %dma_wait3A] : memref<204800x128xf32, #tpu.memory_space<hbm>> -> memref<128x128xf32, #tpu.memory_space<hbm>>
    %dma_wait3A_83 = arith.constant 0 : i32
    %dma_wait3A_84 = tpu.memref_slice %arg5[%mul3A_2, %dma_wait3A_83] : memref<204800x128xf32, #tpu.memory_space<hbm>> -> memref<128x128xf32, #tpu.memory_space<hbm>>
    tpu.wait_dma2 semaphore(%arg15 : memref<!tpu.dma_semaphore, #tpu.memory_space<semaphore_mem>>) src(%arg11 : memref<128x128xf32, #tpu.memory_space<vmem>>) dst(%dma_wait3A_84 : memref<128x128xf32, #tpu.memory_space<hbm>>)
    %dma_wait3A_85 = arith.constant 0 : i32
    %dma_wait3A_86 = tpu.memref_slice %arg5[%mul3A_2, %dma_wait3A_85] : memref<204800x128xf32, #tpu.memory_space<hbm>> -> memref<128x128xf32, #tpu.memory_space<hbm>>
    %dma_wait3A_87 = arith.constant 0 : i32
    %dma_wait3A_88 = tpu.memref_slice %arg5[%mul3A_2, %dma_wait3A_87] : memref<204800x128xf32, #tpu.memory_space<hbm>> -> memref<128x128xf32, #tpu.memory_space<hbm>>
    tpu.wait_dma2 semaphore(%arg16 : memref<!tpu.dma_semaphore, #tpu.memory_space<semaphore_mem>>) src(%arg12 : memref<128x128xf32, #tpu.memory_space<vmem>>) dst(%dma_wait3A_88 : memref<128x128xf32, #tpu.memory_space<hbm>>)
    return
  }
}

module attributes {stable_mosaic.version = 14 : i64} {
  func.func @body(%arg0: i32, %arg1: memref<32x1000000xf32, #tpu.memory_space<any>>, %arg2: memref<8192x128xf32, #tpu.memory_space<vmem>>, %arg3: memref<128x8192xf32, #tpu.memory_space<vmem>>, %arg4: memref<128x8192xf32, #tpu.memory_space<vmem>>, %arg5: memref<32x3904xf32, #tpu.memory_space<vmem>>, %arg6: memref<!tpu.dma_semaphore, #tpu.memory_space<semaphore_mem>>) attributes {dimension_semantics = [#tpu.dimension_semantics<arbitrary>], iteration_bounds = array<i64: 31>, scalar_prefetch = 0 : i64, scratch_operands = 4 : i64, tpu.core_type = #tpu.core_type<tc>, window_params = [{}, {transform_indices = @transform_1, window_bounds = array<i64: 8192, 128>}]} {
    %eq3A = arith.constant 0 : i32
    %eq3A_0 = arith.cmpi eq, %arg0, %eq3A : i32
    %convert_element_type3A = arith.extui %eq3A_0 : i1 to i32
    %cond3A = arith.constant 0 : i32
    %cond3A_1 = arith.cmpi ne, %convert_element_type3A, %cond3A : i32
    scf.if %cond3A_1 {
      %dma_start3A = arith.constant 0 : i32
      %dma_start3A_15 = arith.constant 0 : i32
      %dma_start3A_16 = tpu.memref_slice %arg3[%dma_start3A, %dma_start3A_15] : memref<128x8192xf32, #tpu.memory_space<vmem>> -> memref<32x8192xf32, #tpu.memory_space<vmem>>
      %dma_start3A_17 = arith.constant 0 : i32
      %dma_start3A_18 = arith.constant 0 : i32
      %dma_start3A_19 = tpu.memref_slice %arg1[%dma_start3A_17, %dma_start3A_18] : memref<32x1000000xf32, #tpu.memory_space<any>> -> memref<32x8192xf32, #tpu.memory_space<any>>
      tpu.enqueue_dma source(%dma_start3A_19 : memref<32x8192xf32, #tpu.memory_space<any>>) target(%dma_start3A_16 : memref<32x8192xf32, #tpu.memory_space<vmem>>) target_semaphore(%arg6 : memref<!tpu.dma_semaphore, #tpu.memory_space<semaphore_mem>>)
      %dma_start3A_20 = arith.constant 32 : i32
      %dma_start3A_21 = arith.constant 0 : i32
      %dma_start3A_22 = tpu.memref_slice %arg3[%dma_start3A_20, %dma_start3A_21] : memref<128x8192xf32, #tpu.memory_space<vmem>> -> memref<32x8192xf32, #tpu.memory_space<vmem>>
      %dma_start3A_23 = arith.constant 0 : i32
      %dma_start3A_24 = arith.constant 250112 : i32
      %dma_start3A_25 = tpu.memref_slice %arg1[%dma_start3A_23, %dma_start3A_24] : memref<32x1000000xf32, #tpu.memory_space<any>> -> memref<32x8192xf32, #tpu.memory_space<any>>
      tpu.enqueue_dma source(%dma_start3A_25 : memref<32x8192xf32, #tpu.memory_space<any>>) target(%dma_start3A_22 : memref<32x8192xf32, #tpu.memory_space<vmem>>) target_semaphore(%arg6 : memref<!tpu.dma_semaphore, #tpu.memory_space<semaphore_mem>>)
      %dma_start3A_26 = arith.constant 64 : i32
      %dma_start3A_27 = arith.constant 0 : i32
      %dma_start3A_28 = tpu.memref_slice %arg3[%dma_start3A_26, %dma_start3A_27] : memref<128x8192xf32, #tpu.memory_space<vmem>> -> memref<32x8192xf32, #tpu.memory_space<vmem>>
      %dma_start3A_29 = arith.constant 0 : i32
      %dma_start3A_30 = arith.constant 500224 : i32
      %dma_start3A_31 = tpu.memref_slice %arg1[%dma_start3A_29, %dma_start3A_30] : memref<32x1000000xf32, #tpu.memory_space<any>> -> memref<32x8192xf32, #tpu.memory_space<any>>
      tpu.enqueue_dma source(%dma_start3A_31 : memref<32x8192xf32, #tpu.memory_space<any>>) target(%dma_start3A_28 : memref<32x8192xf32, #tpu.memory_space<vmem>>) target_semaphore(%arg6 : memref<!tpu.dma_semaphore, #tpu.memory_space<semaphore_mem>>)
      %dma_start3A_32 = arith.constant 96 : i32
      %dma_start3A_33 = arith.constant 0 : i32
      %dma_start3A_34 = tpu.memref_slice %arg3[%dma_start3A_32, %dma_start3A_33] : memref<128x8192xf32, #tpu.memory_space<vmem>> -> memref<32x8192xf32, #tpu.memory_space<vmem>>
      %dma_start3A_35 = arith.constant 0 : i32
      %dma_start3A_36 = arith.constant 750336 : i32
      %dma_start3A_37 = tpu.memref_slice %arg1[%dma_start3A_35, %dma_start3A_36] : memref<32x1000000xf32, #tpu.memory_space<any>> -> memref<32x8192xf32, #tpu.memory_space<any>>
      tpu.enqueue_dma source(%dma_start3A_37 : memref<32x8192xf32, #tpu.memory_space<any>>) target(%dma_start3A_34 : memref<32x8192xf32, #tpu.memory_space<vmem>>) target_semaphore(%arg6 : memref<!tpu.dma_semaphore, #tpu.memory_space<semaphore_mem>>)
    } else {
    }
    %rem3A = arith.constant 2 : i32
    %rem3A_2 = arith.remsi %arg0, %rem3A : i32
    %eq3A_3 = arith.constant 0 : i32
    %eq3A_4 = arith.cmpi eq, %rem3A_2, %eq3A_3 : i32
    %convert_element_type3A_5 = arith.extui %eq3A_4 : i1 to i32
    %cond3A_6 = arith.constant 0 : i32
    %cond3A_7 = arith.cmpi ne, %convert_element_type3A_5, %cond3A_6 : i32
    scf.if %cond3A_7 {
      %add3A = arith.constant 1 : i32
      %add3A_15 = arith.addi %arg0, %add3A : i32
      %lt3A = arith.constant 31 : i32
      %lt3A_16 = arith.cmpi slt, %add3A_15, %lt3A : i32
      %convert_element_type3A_17 = arith.extui %lt3A_16 : i1 to i32
      %cond3A_18 = arith.constant 0 : i32
      %cond3A_19 = arith.cmpi ne, %convert_element_type3A_17, %cond3A_18 : i32
      scf.if %cond3A_19 {
        %add3A_56 = arith.constant 1 : i32
        %add3A_57 = arith.addi %arg0, %add3A_56 : i32
        %mul3A = arith.constant 8192 : i32
        %mul3A_58 = arith.muli %add3A_57, %mul3A : i32
        %add3A_59 = arith.constant 0 : i32
        %add3A_60 = arith.addi %add3A_59, %mul3A_58 : i32
        %dma_start3A = arith.constant 0 : i32
        %dma_start3A_61 = arith.constant 0 : i32
        %dma_start3A_62 = tpu.memref_slice %arg4[%dma_start3A, %dma_start3A_61] : memref<128x8192xf32, #tpu.memory_space<vmem>> -> memref<32x8192xf32, #tpu.memory_space<vmem>>
        %dma_start3A_63 = arith.constant 0 : i32
        %dma_start3A_64 = tpu.memref_slice %arg1[%dma_start3A_63, %add3A_60] : memref<32x1000000xf32, #tpu.memory_space<any>> -> memref<32x8192xf32, #tpu.memory_space<any>>
        tpu.enqueue_dma source(%dma_start3A_64 : memref<32x8192xf32, #tpu.memory_space<any>>) target(%dma_start3A_62 : memref<32x8192xf32, #tpu.memory_space<vmem>>) target_semaphore(%arg6 : memref<!tpu.dma_semaphore, #tpu.memory_space<semaphore_mem>>)
        %mul3A_65 = arith.constant 8192 : i32
        %mul3A_66 = arith.muli %add3A_57, %mul3A_65 : i32
        %add3A_67 = arith.constant 250112 : i32
        %add3A_68 = arith.addi %add3A_67, %mul3A_66 : i32
        %dma_start3A_69 = arith.constant 32 : i32
        %dma_start3A_70 = arith.constant 0 : i32
        %dma_start3A_71 = tpu.memref_slice %arg4[%dma_start3A_69, %dma_start3A_70] : memref<128x8192xf32, #tpu.memory_space<vmem>> -> memref<32x8192xf32, #tpu.memory_space<vmem>>
        %dma_start3A_72 = arith.constant 0 : i32
        %dma_start3A_73 = tpu.memref_slice %arg1[%dma_start3A_72, %add3A_68] : memref<32x1000000xf32, #tpu.memory_space<any>> -> memref<32x8192xf32, #tpu.memory_space<any>>
        tpu.enqueue_dma source(%dma_start3A_73 : memref<32x8192xf32, #tpu.memory_space<any>>) target(%dma_start3A_71 : memref<32x8192xf32, #tpu.memory_space<vmem>>) target_semaphore(%arg6 : memref<!tpu.dma_semaphore, #tpu.memory_space<semaphore_mem>>)
        %mul3A_74 = arith.constant 8192 : i32
        %mul3A_75 = arith.muli %add3A_57, %mul3A_74 : i32
        %add3A_76 = arith.constant 500224 : i32
        %add3A_77 = arith.addi %add3A_76, %mul3A_75 : i32
        %dma_start3A_78 = arith.constant 64 : i32
        %dma_start3A_79 = arith.constant 0 : i32
        %dma_start3A_80 = tpu.memref_slice %arg4[%dma_start3A_78, %dma_start3A_79] : memref<128x8192xf32, #tpu.memory_space<vmem>> -> memref<32x8192xf32, #tpu.memory_space<vmem>>
        %dma_start3A_81 = arith.constant 0 : i32
        %dma_start3A_82 = tpu.memref_slice %arg1[%dma_start3A_81, %add3A_77] : memref<32x1000000xf32, #tpu.memory_space<any>> -> memref<32x8192xf32, #tpu.memory_space<any>>
        tpu.enqueue_dma source(%dma_start3A_82 : memref<32x8192xf32, #tpu.memory_space<any>>) target(%dma_start3A_80 : memref<32x8192xf32, #tpu.memory_space<vmem>>) target_semaphore(%arg6 : memref<!tpu.dma_semaphore, #tpu.memory_space<semaphore_mem>>)
        %lt3A_83 = arith.constant 30 : i32
        %lt3A_84 = arith.cmpi slt, %add3A_57, %lt3A_83 : i32
        %convert_element_type3A_85 = arith.extui %lt3A_84 : i1 to i32
        %cond3A_86 = arith.constant 0 : i32
        %cond3A_87 = arith.cmpi ne, %convert_element_type3A_85, %cond3A_86 : i32
        scf.if %cond3A_87 {
          %mul3A_93 = arith.constant 8192 : i32
          %mul3A_94 = arith.muli %add3A_57, %mul3A_93 : i32
          %add3A_95 = arith.constant 750336 : i32
          %add3A_96 = arith.addi %add3A_95, %mul3A_94 : i32
          %dma_start3A_97 = arith.constant 96 : i32
          %dma_start3A_98 = arith.constant 0 : i32
          %dma_start3A_99 = tpu.memref_slice %arg4[%dma_start3A_97, %dma_start3A_98] : memref<128x8192xf32, #tpu.memory_space<vmem>> -> memref<32x8192xf32, #tpu.memory_space<vmem>>
          %dma_start3A_100 = arith.constant 0 : i32
          %dma_start3A_101 = tpu.memref_slice %arg1[%dma_start3A_100, %add3A_96] : memref<32x1000000xf32, #tpu.memory_space<any>> -> memref<32x8192xf32, #tpu.memory_space<any>>
          tpu.enqueue_dma source(%dma_start3A_101 : memref<32x8192xf32, #tpu.memory_space<any>>) target(%dma_start3A_99 : memref<32x8192xf32, #tpu.memory_space<vmem>>) target_semaphore(%arg6 : memref<!tpu.dma_semaphore, #tpu.memory_space<semaphore_mem>>)
        } else {
        }
        %eq3A_88 = arith.constant 30 : i32
        %eq3A_89 = arith.cmpi eq, %add3A_57, %eq3A_88 : i32
        %convert_element_type3A_90 = arith.extui %eq3A_89 : i1 to i32
        %cond3A_91 = arith.constant 0 : i32
        %cond3A_92 = arith.cmpi ne, %convert_element_type3A_90, %cond3A_91 : i32
        scf.if %cond3A_92 {
          %dma_start3A_93 = arith.constant 0 : i32
          %dma_start3A_94 = arith.constant 996096 : i32
          %dma_start3A_95 = tpu.memref_slice %arg1[%dma_start3A_93, %dma_start3A_94] : memref<32x1000000xf32, #tpu.memory_space<any>> -> memref<32x3904xf32, #tpu.memory_space<any>>
          tpu.enqueue_dma source(%dma_start3A_95 : memref<32x3904xf32, #tpu.memory_space<any>>) target(%arg5 : memref<32x3904xf32, #tpu.memory_space<vmem>>) target_semaphore(%arg6 : memref<!tpu.dma_semaphore, #tpu.memory_space<semaphore_mem>>)
        } else {
        }
      } else {
      }
      %dma_wait3A = arith.constant 0 : i32
      %dma_wait3A_20 = arith.constant 0 : i32
      %dma_wait3A_21 = tpu.memref_slice %arg3[%dma_wait3A, %dma_wait3A_20] : memref<128x8192xf32, #tpu.memory_space<vmem>> -> memref<32x8192xf32, #tpu.memory_space<vmem>>
      %dma_wait3A_22 = arith.constant 0 : i32
      %dma_wait3A_23 = arith.constant 0 : i32
      %dma_wait3A_24 = tpu.memref_slice %arg1[%dma_wait3A_22, %dma_wait3A_23] : memref<32x1000000xf32, #tpu.memory_space<any>> -> memref<32x8192xf32, #tpu.memory_space<any>>
      tpu.wait_dma2 semaphore(%arg6 : memref<!tpu.dma_semaphore, #tpu.memory_space<semaphore_mem>>) src(%dma_wait3A_24 : memref<32x8192xf32, #tpu.memory_space<any>>) dst(%dma_wait3A_21 : memref<32x8192xf32, #tpu.memory_space<vmem>>)
      %dma_wait3A_25 = arith.constant 32 : i32
      %dma_wait3A_26 = arith.constant 0 : i32
      %dma_wait3A_27 = tpu.memref_slice %arg3[%dma_wait3A_25, %dma_wait3A_26] : memref<128x8192xf32, #tpu.memory_space<vmem>> -> memref<32x8192xf32, #tpu.memory_space<vmem>>
      %dma_wait3A_28 = arith.constant 0 : i32
      %dma_wait3A_29 = arith.constant 0 : i32
      %dma_wait3A_30 = tpu.memref_slice %arg1[%dma_wait3A_28, %dma_wait3A_29] : memref<32x1000000xf32, #tpu.memory_space<any>> -> memref<32x8192xf32, #tpu.memory_space<any>>
      tpu.wait_dma2 semaphore(%arg6 : memref<!tpu.dma_semaphore, #tpu.memory_space<semaphore_mem>>) src(%dma_wait3A_30 : memref<32x8192xf32, #tpu.memory_space<any>>) dst(%dma_wait3A_27 : memref<32x8192xf32, #tpu.memory_space<vmem>>)
      %dma_wait3A_31 = arith.constant 64 : i32
      %dma_wait3A_32 = arith.constant 0 : i32
      %dma_wait3A_33 = tpu.memref_slice %arg3[%dma_wait3A_31, %dma_wait3A_32] : memref<128x8192xf32, #tpu.memory_space<vmem>> -> memref<32x8192xf32, #tpu.memory_space<vmem>>
      %dma_wait3A_34 = arith.constant 0 : i32
      %dma_wait3A_35 = arith.constant 0 : i32
      %dma_wait3A_36 = tpu.memref_slice %arg1[%dma_wait3A_34, %dma_wait3A_35] : memref<32x1000000xf32, #tpu.memory_space<any>> -> memref<32x8192xf32, #tpu.memory_space<any>>
      tpu.wait_dma2 semaphore(%arg6 : memref<!tpu.dma_semaphore, #tpu.memory_space<semaphore_mem>>) src(%dma_wait3A_36 : memref<32x8192xf32, #tpu.memory_space<any>>) dst(%dma_wait3A_33 : memref<32x8192xf32, #tpu.memory_space<vmem>>)
      %lt3A_37 = arith.constant 30 : i32
      %lt3A_38 = arith.cmpi slt, %arg0, %lt3A_37 : i32
      %convert_element_type3A_39 = arith.extui %lt3A_38 : i1 to i32
      %cond3A_40 = arith.constant 0 : i32
      %cond3A_41 = arith.cmpi ne, %convert_element_type3A_39, %cond3A_40 : i32
      scf.if %cond3A_41 {
        %dma_wait3A_56 = arith.constant 96 : i32
        %dma_wait3A_57 = arith.constant 0 : i32
        %dma_wait3A_58 = tpu.memref_slice %arg3[%dma_wait3A_56, %dma_wait3A_57] : memref<128x8192xf32, #tpu.memory_space<vmem>> -> memref<32x8192xf32, #tpu.memory_space<vmem>>
        %dma_wait3A_59 = arith.constant 0 : i32
        %dma_wait3A_60 = arith.constant 0 : i32
        %dma_wait3A_61 = tpu.memref_slice %arg1[%dma_wait3A_59, %dma_wait3A_60] : memref<32x1000000xf32, #tpu.memory_space<any>> -> memref<32x8192xf32, #tpu.memory_space<any>>
        tpu.wait_dma2 semaphore(%arg6 : memref<!tpu.dma_semaphore, #tpu.memory_space<semaphore_mem>>) src(%dma_wait3A_61 : memref<32x8192xf32, #tpu.memory_space<any>>) dst(%dma_wait3A_58 : memref<32x8192xf32, #tpu.memory_space<vmem>>)
      } else {
      }
      %eq3A_42 = arith.constant 30 : i32
      %eq3A_43 = arith.cmpi eq, %arg0, %eq3A_42 : i32
      %convert_element_type3A_44 = arith.extui %eq3A_43 : i1 to i32
      %cond3A_45 = arith.constant 0 : i32
      %cond3A_46 = arith.cmpi ne, %convert_element_type3A_44, %cond3A_45 : i32
      scf.if %cond3A_46 {
        %dma_wait3A_56 = arith.constant 0 : i32
        %dma_wait3A_57 = arith.constant 996096 : i32
        %dma_wait3A_58 = tpu.memref_slice %arg1[%dma_wait3A_56, %dma_wait3A_57] : memref<32x1000000xf32, #tpu.memory_space<any>> -> memref<32x3904xf32, #tpu.memory_space<any>>
        tpu.wait_dma2 semaphore(%arg6 : memref<!tpu.dma_semaphore, #tpu.memory_space<semaphore_mem>>) src(%dma_wait3A_58 : memref<32x3904xf32, #tpu.memory_space<any>>) dst(%arg5 : memref<32x3904xf32, #tpu.memory_space<vmem>>)
      } else {
      }
      %get3A = arith.constant 0 : index
      %get3A_47 = arith.constant 0 : index
      %get3A_48 = vector.load %arg3[%get3A, %get3A_47] : memref<128x8192xf32, #tpu.memory_space<vmem>>, vector<128x8192xf32>
      %transpose3A = tpu.transpose %get3A_48, [1, 0] : vector<128x8192xf32> -> vector<8192x128xf32>
      %swap3A = arith.constant 0 : index
      %swap3A_49 = arith.constant 0 : index
      %swap3A_50 = vector.load %arg2[%swap3A, %swap3A_49] : memref<8192x128xf32, #tpu.memory_space<vmem>>, vector<8192x128xf32>
      tpu.vector_store %arg2[%swap3A, %swap3A_49], %transpose3A {strides = array<i32>} : memref<8192x128xf32, #tpu.memory_space<vmem>>, vector<8192x128xf32>,
      %eq3A_51 = arith.constant 30 : i32
      %eq3A_52 = arith.cmpi eq, %arg0, %eq3A_51 : i32
      %convert_element_type3A_53 = arith.extui %eq3A_52 : i1 to i32
      %cond3A_54 = arith.constant 0 : i32
      %cond3A_55 = arith.cmpi ne, %convert_element_type3A_53, %cond3A_54 : i32
      scf.if %cond3A_55 {
        %get3A_56 = arith.constant 0 : index
        %get3A_57 = arith.constant 0 : index
        %get3A_58 = vector.load %arg5[%get3A_56, %get3A_57] : memref<32x3904xf32, #tpu.memory_space<vmem>>, vector<32x3904xf32>
        %transpose3A_59 = tpu.transpose %get3A_58, [1, 0] : vector<32x3904xf32> -> vector<3904x32xf32>
        %swap3A_60 = arith.constant 0 : index
        %swap3A_61 = arith.constant 96 : index
        %swap3A_62 = vector.load %arg2[%swap3A_60, %swap3A_61] : memref<8192x128xf32, #tpu.memory_space<vmem>>, vector<3904x32xf32>
        tpu.vector_store %arg2[%swap3A_60, %swap3A_61], %transpose3A_59 {strides = array<i32>} : memref<8192x128xf32, #tpu.memory_space<vmem>>, vector<3904x32xf32>,
      } else {
      }
    } else {
    }
    %rem3A_8 = arith.constant 2 : i32
    %rem3A_9 = arith.remsi %arg0, %rem3A_8 : i32
    %eq3A_10 = arith.constant 1 : i32
    %eq3A_11 = arith.cmpi eq, %rem3A_9, %eq3A_10 : i32
    %convert_element_type3A_12 = arith.extui %eq3A_11 : i1 to i32
    %cond3A_13 = arith.constant 0 : i32
    %cond3A_14 = arith.cmpi ne, %convert_element_type3A_12, %cond3A_13 : i32
    scf.if %cond3A_14 {
      %add3A = arith.constant 1 : i32
      %add3A_15 = arith.addi %arg0, %add3A : i32
      %lt3A = arith.constant 31 : i32
      %lt3A_16 = arith.cmpi slt, %add3A_15, %lt3A : i32
      %convert_element_type3A_17 = arith.extui %lt3A_16 : i1 to i32
      %cond3A_18 = arith.constant 0 : i32
      %cond3A_19 = arith.cmpi ne, %convert_element_type3A_17, %cond3A_18 : i32
      scf.if %cond3A_19 {
        %add3A_56 = arith.constant 1 : i32
        %add3A_57 = arith.addi %arg0, %add3A_56 : i32
        %mul3A = arith.constant 8192 : i32
        %mul3A_58 = arith.muli %add3A_57, %mul3A : i32
        %add3A_59 = arith.constant 0 : i32
        %add3A_60 = arith.addi %add3A_59, %mul3A_58 : i32
        %dma_start3A = arith.constant 0 : i32
        %dma_start3A_61 = arith.constant 0 : i32
        %dma_start3A_62 = tpu.memref_slice %arg3[%dma_start3A, %dma_start3A_61] : memref<128x8192xf32, #tpu.memory_space<vmem>> -> memref<32x8192xf32, #tpu.memory_space<vmem>>
        %dma_start3A_63 = arith.constant 0 : i32
        %dma_start3A_64 = tpu.memref_slice %arg1[%dma_start3A_63, %add3A_60] : memref<32x1000000xf32, #tpu.memory_space<any>> -> memref<32x8192xf32, #tpu.memory_space<any>>
        tpu.enqueue_dma source(%dma_start3A_64 : memref<32x8192xf32, #tpu.memory_space<any>>) target(%dma_start3A_62 : memref<32x8192xf32, #tpu.memory_space<vmem>>) target_semaphore(%arg6 : memref<!tpu.dma_semaphore, #tpu.memory_space<semaphore_mem>>)
        %mul3A_65 = arith.constant 8192 : i32
        %mul3A_66 = arith.muli %add3A_57, %mul3A_65 : i32
        %add3A_67 = arith.constant 250112 : i32
        %add3A_68 = arith.addi %add3A_67, %mul3A_66 : i32
        %dma_start3A_69 = arith.constant 32 : i32
        %dma_start3A_70 = arith.constant 0 : i32
        %dma_start3A_71 = tpu.memref_slice %arg3[%dma_start3A_69, %dma_start3A_70] : memref<128x8192xf32, #tpu.memory_space<vmem>> -> memref<32x8192xf32, #tpu.memory_space<vmem>>
        %dma_start3A_72 = arith.constant 0 : i32
        %dma_start3A_73 = tpu.memref_slice %arg1[%dma_start3A_72, %add3A_68] : memref<32x1000000xf32, #tpu.memory_space<any>> -> memref<32x8192xf32, #tpu.memory_space<any>>
        tpu.enqueue_dma source(%dma_start3A_73 : memref<32x8192xf32, #tpu.memory_space<any>>) target(%dma_start3A_71 : memref<32x8192xf32, #tpu.memory_space<vmem>>) target_semaphore(%arg6 : memref<!tpu.dma_semaphore, #tpu.memory_space<semaphore_mem>>)
        %mul3A_74 = arith.constant 8192 : i32
        %mul3A_75 = arith.muli %add3A_57, %mul3A_74 : i32
        %add3A_76 = arith.constant 500224 : i32
        %add3A_77 = arith.addi %add3A_76, %mul3A_75 : i32
        %dma_start3A_78 = arith.constant 64 : i32
        %dma_start3A_79 = arith.constant 0 : i32
        %dma_start3A_80 = tpu.memref_slice %arg3[%dma_start3A_78, %dma_start3A_79] : memref<128x8192xf32, #tpu.memory_space<vmem>> -> memref<32x8192xf32, #tpu.memory_space<vmem>>
        %dma_start3A_81 = arith.constant 0 : i32
        %dma_start3A_82 = tpu.memref_slice %arg1[%dma_start3A_81, %add3A_77] : memref<32x1000000xf32, #tpu.memory_space<any>> -> memref<32x8192xf32, #tpu.memory_space<any>>
        tpu.enqueue_dma source(%dma_start3A_82 : memref<32x8192xf32, #tpu.memory_space<any>>) target(%dma_start3A_80 : memref<32x8192xf32, #tpu.memory_space<vmem>>) target_semaphore(%arg6 : memref<!tpu.dma_semaphore, #tpu.memory_space<semaphore_mem>>)
        %lt3A_83 = arith.constant 30 : i32
        %lt3A_84 = arith.cmpi slt, %add3A_57, %lt3A_83 : i32
        %convert_element_type3A_85 = arith.extui %lt3A_84 : i1 to i32
        %cond3A_86 = arith.constant 0 : i32
        %cond3A_87 = arith.cmpi ne, %convert_element_type3A_85, %cond3A_86 : i32
        scf.if %cond3A_87 {
          %mul3A_93 = arith.constant 8192 : i32
          %mul3A_94 = arith.muli %add3A_57, %mul3A_93 : i32
          %add3A_95 = arith.constant 750336 : i32
          %add3A_96 = arith.addi %add3A_95, %mul3A_94 : i32
          %dma_start3A_97 = arith.constant 96 : i32
          %dma_start3A_98 = arith.constant 0 : i32
          %dma_start3A_99 = tpu.memref_slice %arg3[%dma_start3A_97, %dma_start3A_98] : memref<128x8192xf32, #tpu.memory_space<vmem>> -> memref<32x8192xf32, #tpu.memory_space<vmem>>
          %dma_start3A_100 = arith.constant 0 : i32
          %dma_start3A_101 = tpu.memref_slice %arg1[%dma_start3A_100, %add3A_96] : memref<32x1000000xf32, #tpu.memory_space<any>> -> memref<32x8192xf32, #tpu.memory_space<any>>
          tpu.enqueue_dma source(%dma_start3A_101 : memref<32x8192xf32, #tpu.memory_space<any>>) target(%dma_start3A_99 : memref<32x8192xf32, #tpu.memory_space<vmem>>) target_semaphore(%arg6 : memref<!tpu.dma_semaphore, #tpu.memory_space<semaphore_mem>>)
        } else {
        }
        %eq3A_88 = arith.constant 30 : i32
        %eq3A_89 = arith.cmpi eq, %add3A_57, %eq3A_88 : i32
        %convert_element_type3A_90 = arith.extui %eq3A_89 : i1 to i32
        %cond3A_91 = arith.constant 0 : i32
        %cond3A_92 = arith.cmpi ne, %convert_element_type3A_90, %cond3A_91 : i32
        scf.if %cond3A_92 {
          %dma_start3A_93 = arith.constant 0 : i32
          %dma_start3A_94 = arith.constant 996096 : i32
          %dma_start3A_95 = tpu.memref_slice %arg1[%dma_start3A_93, %dma_start3A_94] : memref<32x1000000xf32, #tpu.memory_space<any>> -> memref<32x3904xf32, #tpu.memory_space<any>>
          tpu.enqueue_dma source(%dma_start3A_95 : memref<32x3904xf32, #tpu.memory_space<any>>) target(%arg5 : memref<32x3904xf32, #tpu.memory_space<vmem>>) target_semaphore(%arg6 : memref<!tpu.dma_semaphore, #tpu.memory_space<semaphore_mem>>)
        } else {
        }
      } else {
      }
      %dma_wait3A = arith.constant 0 : i32
      %dma_wait3A_20 = arith.constant 0 : i32
      %dma_wait3A_21 = tpu.memref_slice %arg4[%dma_wait3A, %dma_wait3A_20] : memref<128x8192xf32, #tpu.memory_space<vmem>> -> memref<32x8192xf32, #tpu.memory_space<vmem>>
      %dma_wait3A_22 = arith.constant 0 : i32
      %dma_wait3A_23 = arith.constant 0 : i32
      %dma_wait3A_24 = tpu.memref_slice %arg1[%dma_wait3A_22, %dma_wait3A_23] : memref<32x1000000xf32, #tpu.memory_space<any>> -> memref<32x8192xf32, #tpu.memory_space<any>>
      tpu.wait_dma2 semaphore(%arg6 : memref<!tpu.dma_semaphore, #tpu.memory_space<semaphore_mem>>) src(%dma_wait3A_24 : memref<32x8192xf32, #tpu.memory_space<any>>) dst(%dma_wait3A_21 : memref<32x8192xf32, #tpu.memory_space<vmem>>)
      %dma_wait3A_25 = arith.constant 32 : i32
      %dma_wait3A_26 = arith.constant 0 : i32
      %dma_wait3A_27 = tpu.memref_slice %arg4[%dma_wait3A_25, %dma_wait3A_26] : memref<128x8192xf32, #tpu.memory_space<vmem>> -> memref<32x8192xf32, #tpu.memory_space<vmem>>
      %dma_wait3A_28 = arith.constant 0 : i32
      %dma_wait3A_29 = arith.constant 0 : i32
      %dma_wait3A_30 = tpu.memref_slice %arg1[%dma_wait3A_28, %dma_wait3A_29] : memref<32x1000000xf32, #tpu.memory_space<any>> -> memref<32x8192xf32, #tpu.memory_space<any>>
      tpu.wait_dma2 semaphore(%arg6 : memref<!tpu.dma_semaphore, #tpu.memory_space<semaphore_mem>>) src(%dma_wait3A_30 : memref<32x8192xf32, #tpu.memory_space<any>>) dst(%dma_wait3A_27 : memref<32x8192xf32, #tpu.memory_space<vmem>>)
      %dma_wait3A_31 = arith.constant 64 : i32
      %dma_wait3A_32 = arith.constant 0 : i32
      %dma_wait3A_33 = tpu.memref_slice %arg4[%dma_wait3A_31, %dma_wait3A_32] : memref<128x8192xf32, #tpu.memory_space<vmem>> -> memref<32x8192xf32, #tpu.memory_space<vmem>>
      %dma_wait3A_34 = arith.constant 0 : i32
      %dma_wait3A_35 = arith.constant 0 : i32
      %dma_wait3A_36 = tpu.memref_slice %arg1[%dma_wait3A_34, %dma_wait3A_35] : memref<32x1000000xf32, #tpu.memory_space<any>> -> memref<32x8192xf32, #tpu.memory_space<any>>
      tpu.wait_dma2 semaphore(%arg6 : memref<!tpu.dma_semaphore, #tpu.memory_space<semaphore_mem>>) src(%dma_wait3A_36 : memref<32x8192xf32, #tpu.memory_space<any>>) dst(%dma_wait3A_33 : memref<32x8192xf32, #tpu.memory_space<vmem>>)
      %lt3A_37 = arith.constant 30 : i32
      %lt3A_38 = arith.cmpi slt, %arg0, %lt3A_37 : i32
      %convert_element_type3A_39 = arith.extui %lt3A_38 : i1 to i32
      %cond3A_40 = arith.constant 0 : i32
      %cond3A_41 = arith.cmpi ne, %convert_element_type3A_39, %cond3A_40 : i32
      scf.if %cond3A_41 {
        %dma_wait3A_56 = arith.constant 96 : i32
        %dma_wait3A_57 = arith.constant 0 : i32
        %dma_wait3A_58 = tpu.memref_slice %arg4[%dma_wait3A_56, %dma_wait3A_57] : memref<128x8192xf32, #tpu.memory_space<vmem>> -> memref<32x8192xf32, #tpu.memory_space<vmem>>
        %dma_wait3A_59 = arith.constant 0 : i32
        %dma_wait3A_60 = arith.constant 0 : i32
        %dma_wait3A_61 = tpu.memref_slice %arg1[%dma_wait3A_59, %dma_wait3A_60] : memref<32x1000000xf32, #tpu.memory_space<any>> -> memref<32x8192xf32, #tpu.memory_space<any>>
        tpu.wait_dma2 semaphore(%arg6 : memref<!tpu.dma_semaphore, #tpu.memory_space<semaphore_mem>>) src(%dma_wait3A_61 : memref<32x8192xf32, #tpu.memory_space<any>>) dst(%dma_wait3A_58 : memref<32x8192xf32, #tpu.memory_space<vmem>>)
      } else {
      }
      %eq3A_42 = arith.constant 30 : i32
      %eq3A_43 = arith.cmpi eq, %arg0, %eq3A_42 : i32
      %convert_element_type3A_44 = arith.extui %eq3A_43 : i1 to i32
      %cond3A_45 = arith.constant 0 : i32
      %cond3A_46 = arith.cmpi ne, %convert_element_type3A_44, %cond3A_45 : i32
      scf.if %cond3A_46 {
        %dma_wait3A_56 = arith.constant 0 : i32
        %dma_wait3A_57 = arith.constant 996096 : i32
        %dma_wait3A_58 = tpu.memref_slice %arg1[%dma_wait3A_56, %dma_wait3A_57] : memref<32x1000000xf32, #tpu.memory_space<any>> -> memref<32x3904xf32, #tpu.memory_space<any>>
        tpu.wait_dma2 semaphore(%arg6 : memref<!tpu.dma_semaphore, #tpu.memory_space<semaphore_mem>>) src(%dma_wait3A_58 : memref<32x3904xf32, #tpu.memory_space<any>>) dst(%arg5 : memref<32x3904xf32, #tpu.memory_space<vmem>>)
      } else {
      }
      %get3A = arith.constant 0 : index
      %get3A_47 = arith.constant 0 : index
      %get3A_48 = vector.load %arg4[%get3A, %get3A_47] : memref<128x8192xf32, #tpu.memory_space<vmem>>, vector<128x8192xf32>
      %transpose3A = tpu.transpose %get3A_48, [1, 0] : vector<128x8192xf32> -> vector<8192x128xf32>
      %swap3A = arith.constant 0 : index
      %swap3A_49 = arith.constant 0 : index
      %swap3A_50 = vector.load %arg2[%swap3A, %swap3A_49] : memref<8192x128xf32, #tpu.memory_space<vmem>>, vector<8192x128xf32>
      tpu.vector_store %arg2[%swap3A, %swap3A_49], %transpose3A {strides = array<i32>} : memref<8192x128xf32, #tpu.memory_space<vmem>>, vector<8192x128xf32>,
      %eq3A_51 = arith.constant 30 : i32
      %eq3A_52 = arith.cmpi eq, %arg0, %eq3A_51 : i32
      %convert_element_type3A_53 = arith.extui %eq3A_52 : i1 to i32
      %cond3A_54 = arith.constant 0 : i32
      %cond3A_55 = arith.cmpi ne, %convert_element_type3A_53, %cond3A_54 : i32
      scf.if %cond3A_55 {
        %get3A_56 = arith.constant 0 : index
        %get3A_57 = arith.constant 0 : index
        %get3A_58 = vector.load %arg5[%get3A_56, %get3A_57] : memref<32x3904xf32, #tpu.memory_space<vmem>>, vector<32x3904xf32>
        %transpose3A_59 = tpu.transpose %get3A_58, [1, 0] : vector<32x3904xf32> -> vector<3904x32xf32>
        %swap3A_60 = arith.constant 0 : index
        %swap3A_61 = arith.constant 96 : index
        %swap3A_62 = vector.load %arg2[%swap3A_60, %swap3A_61] : memref<8192x128xf32, #tpu.memory_space<vmem>>, vector<3904x32xf32>
        tpu.vector_store %arg2[%swap3A_60, %swap3A_61], %transpose3A_59 {strides = array<i32>} : memref<8192x128xf32, #tpu.memory_space<vmem>>, vector<3904x32xf32>,
      } else {
      }
    } else {
    }
    return
  }
  func.func @transform_1(%arg0: i32) -> (i32, i32) {
    %c0_i32 = arith.constant 0 : i32
    %c0_i32_0 = arith.constant 0 : i32
    return %arg0, %c0_i32 : i32, i32
  }
}

</mosaic_0001>

<sc_bundles>
// kernel: kernel.4.cloned.1.call-start
scs
__scs_entry_jumppad:
0x0: {  	(pc) =	sbr.rel $0x88, $3  }
0x1: {  	(tag) =	ssettag $0x0;
	lr =	simm.s32 $0x1  }
0x2: {  	[smem:$0x3F9E] =	sst lr;
	_ =	strace $0xD0000000  }
0x3: {  	_ = 	snop  }
0x4: {  	_ = 	snop  }
0x5: {  	_ = 	snop  }
0x6: {  	_ = 	snop  }
0x7: {  	_ = 	snop  }
__scs_overlays_trampoline_lowered:
0x8: {  	[smem:$0x3FAD] =	sst s0  }
0x9: {  	[smem:$0x3FAE] =	sst s1  }
0xa: {  	[smem:$0x3FAF] =	sst s2  }
0xb: {  	[smem:$0x3FB0] =	sst s3  }
0xc: {  	[smem:$0x3FB1] =	sst s4  }
0xd: {  	[smem:$0x3FB2] =	sst s5  }
0xe: {  	[smem:$0x3FB3] =	sst s6  }
0xf: {  	[smem:$0x3FB4] =	sst s7  }
0x10: {  	[smem:$0x3FB5] =	sst s8  }
0x11: {  	[smem:$0x3FB6] =	sst s9;
	s0 =	simm.s32 @!p0 $0x0  }
0x12: {  	s1 =	sld [smem:$0x3F9C];
	s0 =	simm.s32 @p0 $0x1  }
0x13: {  	[smem:$0x3FB7] =	sst s0;
	s0 =	simm.s32 @!p1 $0x0  }
0x14: {  	s2 =	sld [smem:$0x3F9B];
	s0 =	simm.s32 @p1 $0x1  }
0x15: {  	[smem:$0x3FB8] =	sst s0;
	s0 =	simm.s32 @!p2 $0x0  }
0x16: {  	s3 =	sld [smem:$0x3FDB];
	s0 =	simm.s32 @p2 $0x1  }
0x17: {  	s4 =	simm.s32 $0x1BF5;
	[smem:$0x3FBA] =	sst s0  }
0x18: {  	s0 =	sld [smem:$0x3F9D];
	_ =	swait.ge [sflag:s4], $0x0  }
0x19: {  	s7 =	sld [smem:$0x3F9E]  }
0x1a: {  	s8 =	sadd.s32 $0xFFFFE003, lr  }
0x1b: {  	s9 =	sadd.s32 $0xFFFFFEF7, lr;
	s5 =	simm.s32 $0xFFFFFFFF;
	p2 =	slt.u32 s8, $0xFFFFF086  }
0x1c: {  	p1 =	slt.u32 s9, $0xF7A;
	s5 =	simm.s32 @!p2 $0x0  }
0x1d: {  	s5 =	simm.s32 @p1 $0x1;
	p0 =	seq.s32 s7, s2  }
0x1e: {  	s7 =	smul.u32 @!p0 $0xF7A, s2;
	p2 =	seq.s32 @!p0 s5, $0x0  }
0x1f: {  	s9 =	smul.u32 $0xF7A, s1;
	s8 =	simm.s32 @!p0 $0x1BF5;
	p2 =	por !p2, p0  }
0x20: {  	[sflag:s8] =	ssyncset.s32 @!p0 $0xFFFFF086;
	s6 =	sadd.s32 @!p0 s3, s7;
	s7 =	simm.s32 @!p0 $0x108  }
0x21: {  	s3 =	sadd.s32 s3, s9;
	s6 =	sadd.s32 @!p0 $0x88, s6;
	s7 =	simm.s32 @p2 $0x1082  }
0x22: {  	[simem:s7], [sflag:s8] =	dma.local @!p0 [hbm:s6], $0xF7A  }
0x23: {  	s9 =	sor.u32 $0xD0000000, s2;
	s6 =	simm.s32 $0x108;
	_ =	swait.ge @!p0 [sflag:s8], $0x0  }
0x24: {  	s3 =	sadd.s32 $0x88, s3;
	s6 =	simm.s32 @!p1 $0x1082;
	[sflag:s4] =	ssyncset.s32 $0xFFFFF086  }
0x25: {  	[simem:s6], [sflag:s4] =	dma.local [hbm:s3], $0xF7A  }
0x26: {  	[smem:$0x3F9E] =	sst s1;
	(tag) =	ssettag s2;
	_ =	strace s9  }
0x27: {  	s1 =	sld [smem:$0x3FAE]  }
0x28: {  	s2 =	sld [smem:$0x3FAF]  }
0x29: {  	s4 =	sld [smem:$0x3FB1]  }
0x2a: {  	p0 =	seq.s32 s5, $0x0;
	s5 =	sld [smem:$0x3FB2]  }
0x2b: {  	s6 =	sld [smem:$0x3FB3]  }
0x2c: {  	s7 =	sld [smem:$0x3FB4]  }
0x2d: {  	s3 =	simm.s32 $0x108;
	s8 =	sld [smem:$0x3FB5]  }
0x2e: {  	s3 =	simm.s32 @!p0 $0x1082;
	s9 =	sld [smem:$0x3FB6]  }
0x2f: {  	lr =	sadd.s32 s0, s3;
	s0 =	sld [smem:$0x3FAD]  }
0x30: {  	s3 =	sld [smem:$0x3FB0]  }
0x31: {  	[smem:$0x3FB9] =	sst s10  }
0x32: {  	s10 =	sld [smem:$0x3FB7];
	_ =	sdelay $0x3  }
0x33: {  	p0 =	seq.s32 s10, $0x1;
	s10 =	sld [smem:$0x3FB9];
	_ =	sdelay $0x3  }
0x34: {  	[smem:$0x3FB9] =	sst s10  }
0x35: {  	s10 =	sld [smem:$0x3FB8];
	_ =	sdelay $0x3  }
0x36: {  	p1 =	seq.s32 s10, $0x1;
	s10 =	sld [smem:$0x3FB9];
	_ =	sdelay $0x3  }
0x37: {  	[smem:$0x3FB9] =	sst s10  }
0x38: {  	s10 =	sld [smem:$0x3FBA]  }
0x39: {  	_ = 	snop;
	(pc) =	sbr.ind lr, $3  }
0x3a: {  	_ = 	snop  }
0x3b: {  	_ = 	snop  }
0x3c: {  	p2 =	seq.s32 s10, $0x1;
	s10 =	sld [smem:$0x3FB9]  }
0x3d: {  	_ =	shalt  }
0x3e: {  	_ =	shalt  }
0x3f: {  	_ =	shalt  }
0x40: {  	_ =	shalt  }
0x41: {  	_ =	shalt  }
0x42: {  	_ =	shalt  }
0x43: {  	_ =	shalt  }
0x44: {  	_ =	shalt  }
0x45: {  	_ =	shalt  }
0x46: {  	_ =	shalt  }
0x47: {  	_ =	shalt  }
0x48: {  	_ =	shalt  }
0x49: {  	_ =	shalt  }
0x4a: {  	_ =	shalt  }
0x4b: {  	_ =	shalt  }
0x4c: {  	_ =	shalt  }
0x4d: {  	_ =	shalt  }
0x4e: {  	_ =	shalt  }
0x4f: {  	_ =	shalt  }
0x50: {  	_ =	shalt  }
0x51: {  	_ =	shalt  }
0x52: {  	_ =	shalt  }
0x53: {  	_ =	shalt  }
0x54: {  	_ =	shalt  }
0x55: {  	_ =	shalt  }
0x56: {  	_ =	shalt  }
0x57: {  	_ =	shalt  }
0x58: {  	_ =	shalt  }
0x59: {  	_ =	shalt  }
0x5a: {  	_ =	shalt  }
0x5b: {  	_ =	shalt  }
0x5c: {  	_ =	shalt  }
0x5d: {  	_ =	shalt  }
0x5e: {  	_ =	shalt  }
0x5f: {  	_ =	shalt  }
0x60: {  	_ =	shalt  }
0x61: {  	_ =	shalt  }
0x62: {  	_ =	shalt  }
0x63: {  	_ =	shalt  }
0x64: {  	_ =	shalt  }
0x65: {  	_ =	shalt  }
0x66: {  	_ =	shalt  }
0x67: {  	_ =	shalt  }
0x68: {  	_ =	shalt  }
0x69: {  	_ =	shalt  }
0x6a: {  	_ =	shalt  }
0x6b: {  	_ =	shalt  }
0x6c: {  	_ =	shalt  }
0x6d: {  	_ =	shalt  }
0x6e: {  	_ =	shalt  }
0x6f: {  	_ =	shalt  }
0x70: {  	_ =	shalt  }
0x71: {  	_ =	shalt  }
0x72: {  	_ =	shalt  }
0x73: {  	_ =	shalt  }
0x74: {  	_ =	shalt  }
0x75: {  	_ =	shalt  }
0x76: {  	_ =	shalt  }
0x77: {  	_ =	shalt  }
0x78: {  	_ =	shalt  }
0x79: {  	_ =	shalt  }
0x7a: {  	_ =	shalt  }
0x7b: {  	_ =	shalt  }
0x7c: {  	_ =	shalt  }
0x7d: {  	_ =	shalt  }
0x7e: {  	_ =	shalt  }
0x7f: {  	_ =	shalt  }
0x80: {  	_ =	shalt  }
0x81: {  	_ =	shalt  }
0x82: {  	_ =	shalt  }
0x83: {  	_ =	shalt  }
0x84: {  	_ =	shalt  }
0x85: {  	_ =	shalt  }
0x86: {  	_ =	shalt  }
0x87: {  	_ =	shalt  }
.Lfunc_end0:
.L_simem_size_0:
called_computation_lowered:
.L_overlay_start_0:
0x88: {  	s2 =	sld [smem:$0x3FD9]  }
0x89: {  	s3 =	sld [smem:$0x3FFE];
	_ =	sdelay $0x1  }
0x8a: {  	s1 =	srdreg.scid  }
0x8b: {  	s0 =	sand.u32 $0x1, s1  }
0x8c: {  	s17 =	sshll.u32 s0, $0xA;
	s2 =	sadd.s32 s3, s2  }
0x8d: {  	s2 =	sadd.s32 s2, s17  }
0x8e: {  	[smem:$0x3FC5] =	sst s2  }
0x8f: {  	_ = 	snop  }
0x90: {  	s2 =	sld [smem:$0x3FC7]  }
0x91: {  	s18 =	sld [smem:$0x3FD0];
	(tm) =	ssettm $0x1  }
0x92: {  	s4 =	sld [smem:$0x3FFB];
	_ =	sdelay $0x3  }
0x93: {  	_ =	strace s4  }
0x94: {  	s4 =	sld [smem:$0x3FFC];
	_ =	sdelay $0x3  }
0x95: {  	_ =	strace s4  }
0x96: {  	s4 =	sld [smem:$0x3FFD];
	_ =	sdelay $0x3  }
0x97: {  	_ =	strace s4  }
0x98: {  	_ =	strace $0x8FFFFFFF  }
0x99: {  	s19 =	sld [smem:$0x3FDB];
	_ =	sdelay $0x1  }
0x9a: {  	s5 =	simm.s32 $_scs_section_size  }
0x9b: {  	s6 =	simm.s32 $_size__tile_overlayer_lowered;
	s7 =	simm.s32 $_tile_overlayer_lowered  }
0x9c: {  	s22 =	simm.s32 $0x1BFF;
	s21 =	sshll.u32 s7, $0x1;
	s4 =	sadd.s32 s5, s19  }
0x9d: {  	s8 =	simm.s32 $0x0;
	s20 =	sshll.u32 s6, $0x1;
	s6 =	sadd.s32 s21, s4  }
0x9e: {  	[timem:s8], [sflag:s22] =	dma.local [hbm:s6], s20  }
0x9f: {  	_ =	swait.ge [sflag:s22], s20  }
0xa0: {  	s5 =	ssub.s32 $0x0, s20;
	[sflag:s22] =	ssyncset.done $0x0  }
0xa1: {  	[sflag:s22] =	ssyncadd.s32 s5;
	_ =	sdelay $0x1  }
0xa2: {  	s23 =	simm.s32 $0x1B8B  }
0xa3: {  	_ =	swait.ge [sflag:s23], $0x1  }
0xa4: {  	[sflag:s23] =	ssyncset.done $0x0  }
0xa5: {  	s25 =	simm.s32 $0x1B8E;
	s24 =	sld [smem:$0x3FFE];
	[sflag:s23] =	ssyncadd.s32 $0xFFFFFFFF  }
0xa6: {  	s26 =	simm.s32 $execute0_lowered;
	[smem:$0x3FD2] =	sst s25  }
0xa7: {  	s6 =	sshll.u32 s26, $0x1;
	_ =	strace $0x80000046;
	[dreg:$0x1] =	wrdreg $0xFFFFFFFF  }
0xa8: {  	s28 =	simm.s32 $_size_execute0_lowered;
	s4 =	sadd.s32 s4, s6;
	[dreg:$0x0] =	wrdreg $0x0  }
0xa9: {  	s6 =	sshll.u32 s28, $0x1;
	[dreg:$0x2] =	wrdreg s4  }
0xaa: {  	[dreg:$0x3] =	wrdreg s6  }
0xab: {  	[dreg:$0x4] =	wrdreg $0xC0  }
0xac: {  	_ =	task [dreg:s8], $0x5FFFF  }
0xad: {  	[dreg:$0x1] =	wrdreg $0xFFFFFFFF  }
0xae: {  	[dreg:$0x0] =	wrdreg $0x60  }
0xaf: {  	[dreg:$0x2] =	wrdreg s24  }
0xb0: {  	[dreg:$0x3] =	wrdreg s2  }
0xb1: {  	[dreg:$0x4] =	wrdreg s18  }
0xb2: {  	[dreg:$0x5] =	wrdreg $0x9  }
0xb3: {  	_ =	task.clear_ibuf [dreg:s8], $0x6FFFF;
	_ =	strace $0x90000046  }
0xb4: {  	s29 =	simm.s32 $0x9;
	_ =	strace $0x80000048  }
0xb5: {  	_ =	swait.ge [sflag:s29], $0x1  }
0xb6: {  	[sflag:s29] =	ssyncadd.s32 $0xFFFFFFFF  }
0xb7: {  	_ =	strace $0x90000048  }
0xb8: {  	_ =	sfence  }
0xb9: {  	s30 =	sld [smem:$0x0];
	_ =	sdelay $0x2  }
0xba: {  	s31 =	sshll.u32 s1, $0xD;
	s1 =	sshrl.u32 s1, $0x2  }
0xbb: {  	s3 =	sand.u32 $0x4000, s31;
	s1 =	sadd.s32 s1, s30  }
0xbc: {  	s0 =	sor.u32 s3, s0;
	s1 =	sshll.u32 s1, $0x11  }
0xbd: {  	s0 =	sor.u32 s1, s0  }
0xbe: {  	s0 =	sadd.s32 $0x8F2B, s0  }
0xbf: {  	[sflag:s0] =	ssyncadd.remote.s32 $0x1  }
0xc0: {  	_ =	sfence.sel $0xFFFF  }
0xc1: {  	[dreg:$0x0] =	wrdreg $0xFFFFFFFF;
	(pc) =	sbr.abs _section_cstart, $3  }
0xc2: {  	[dreg:$0x1] =	wrdreg $0xFFFFFFFF  }
0xc3: {  	_ =	task.clear_ibuf [dreg:s8], $0x2FFFF;
	_ =	strace $0x9FFFFFFF  }
0xc4: {  	(tm) =	ssettm $0x7FFFFFFF  }
0xc5: {  	_ =	shalt  }
tec
execute0_lowered:
.L_overlay_start_1:
0x0: {  	(tag) =	ssettag $0x1  }
0x1: {  	s0 =	rddreg [dreg:$0x0];
	s1 =	srdreg.scid  }
0x2: {  	s2 =	stileid.u32;
	s9 =	rddreg [dreg:$0x2];
	s4 =	simm.s32 $0x0  }
0x3: {  	s12 =	simm.s32 $0x80;
	s14 =	simm.s32 $0x3280;
	s16 =	simm.s32 $0x4280  }
0x4: {  	s17 =	simm.s32 $0x1;
	s1 =	sand.u32 $0x1, s1;
	s2 =	sshll.u32 s2, $0x1  }
0x5: {  	s19 =	simm.s32 $0x2;
	s20 =	simm.s32 $0x4;
	s2 =	sor.u32 s1, s2  }
0x6: {  	[smem:$0x7FF] =	sst s4;
	s1 =	ssub.s32 $0x2, s1;
	s3 =	smul.u32 $0x320, s2  }
.Ltmp0:
0x7: {  	v0 =	vlaneseq.u32;
	s5 =	sadd.s32 $0x6800, s0;
	s6 =	sshrl.u32 s1, $0x1;
	(pc) =	sbr.rel .LBB2_1-.Ltmp0, $4  }
0x8: {  	v0 =	vshrl.u32 v0, $0x2;
	_ =	strace $0x80000047;
	s8 =	smul.u32 $0x19000, s2;
	s29 =	ssub.s32 s1, s6  }
0x9: {  	v1 =	vimm.s32 $0x0;
	v2 =	vor.u32 $0x4, v0;
	s7 =	smul.u32 $0xC8000, s2;
	s3 =	sadd.s32 s3, s0;
	s0 =	smax.u32 s29, $0x1  }
0xa: {  	v3 =	vor.u32 $0x8, v0;
	v4 =	vor.u32 $0xC, v0;
	v5 =	vor.u32 $0x10, v0;
	s31 =	sadd.s32 s8, s9;
	s30 =	sadd.s32 $0x400, s3;
	[dreg:$0x5] =	wrdreg s0  }
0xb: {  	v6 =	vor.u32 $0x14, v0;
	v7 =	vor.u32 $0x18, v0;
	v8 =	vor.u32 $0x1C, v0;
	s1 =	simm.s32 $0x0;
	s9 =	sadd.s32 $0x800, s31;
	[dreg:$0x4] =	wrdreg s30  }
.LBB2_14:
0xc: {  	s0 =	simm.s32 $0x3  }
0xd: {  	_ =	swait.ge [sflag:s0], $0x4000  }
0xe: {  	[sflag:s0] =	ssyncset.done $0x0  }
0xf: {  	[sflag:s0] =	ssyncadd.s32 $0xFFFFC000  }
0x10: {  	_ =	swait.ge [sflag:s20], $0x4000  }
0x11: {  	s1 =	rddreg [dreg:$0x6]  }
0x12: {  	s31 =	rddreg [dreg:$0x5];
	s1 =	sadd.s32 $0x1, s1  }
0x13: {  	p0 =	sne.s32 s1, s31  }
.Ltmp1:
0x14: {  	_ = 	snop;
	(pc) =	sbr.rel @!p0 .LBB2_15-.Ltmp1, $3  }
0x15: {  	_ =	sdelay $0x1  }
0x16: {  	[sflag:s20] =	ssyncset.done $0x0  }
0x17: {  	[sflag:s20] =	ssyncadd.s32 $0xFFFFC000  }
.LBB2_1:
0x18: {  	[dreg:$0x6] =	wrdreg s1  }
0x19: {  	s0 =	rddreg [dreg:$0x4];
	s29 =	simm.s32 $0x5  }
0x1a: {  	[tilespmem:s4], [sflag:$0x5] =	stream.linear.gather [hbm4b:s0+s4], $0x1900, $0x38;
	[tilespmem:$0xD280] =	vst v63  }
0x1b: {  	_ =	swait.ge [sflag:s29], $0x1900  }
0x1c: {  	[sflag:s29] =	ssyncset.done $0x0  }
0x1d: {  	[sflag:s29] =	ssyncadd.s32 $0xFFFFE700  }
0x1e: {  	s2 =	simm.s32 $0x3200;
	s30 =	rddreg [dreg:$0x1]  }
0x1f: {  	[tilespmem:s2], [sflag:$0x5] =	stream.linear.gather [hbm4b:s30+s4], $0x80, $0x38;
	[tilespmem:$0xD280] =	vst v63  }
0x20: {  	_ =	swait.ge [sflag:s29], $0x80  }
0x21: {  	[sflag:s29] =	ssyncset.done $0x0  }
0x22: {  	s31 =	simm.s32 $0x40;
	[sflag:s29] =	ssyncadd.s32 $0xFFFFFF80  }
0x23: {  	v9 =	vld [tilespmem:s31+$0x30]  }
0x24: {  	v20 =	vld [tilespmem:s31+$0xFFFFFFE0]  }
0x25: {  	v29 =	vld [tilespmem:s31+$0xFFFFFFF0]  }
0x26: {  	v33 =	vld [tilespmem:s31+$0x0]  }
0x27: {  	v17 =	vld [tilespmem:s31+$0x10]  }
0x28: {  	v30 =	vld [tilespmem:s31+$0xFFFFFFC0]  }
0x29: {  	v18 =	vld [tilespmem:s31+$0x20]  }
0x2a: {  	vm0 =	vgt.s32 v9, $0x3D0FF;
	vm1 =	vgt.s32 v9, $0x7A1FF  }
0x2b: {  	v19 =	vld [tilespmem:s31+$0xFFFFFFD0];
	vm8 =	vgt.s32 v9, $0xB72FF;
	vm2 =	vgt.s32 v20, $0x3D0FF;
	vm3 =	vgt.s32 v20, $0x7A1FF  }
0x2c: {  	vm4 =	vgt.s32 v29, $0x3D0FF;
	vm5 =	vgt.s32 v29, $0x7A1FF;
	vm6 =	vgt.s32 v33, $0x3D0FF  }
0x2d: {  	vm7 =	vgt.s32 v33, $0x7A1FF;
	vm9 =	vgt.s32 v17, $0x7A1FF;
	vm10 =	vgt.s32 v30, $0x3D0FF  }
0x2e: {  	vm11 =	vgt.s32 v30, $0x7A1FF;
	vm12 =	vgt.s32 v18, $0x3D0FF;
	vm13 =	vgt.s32 v18, $0x7A1FF  }
0x2f: {  	vm14 =	vgt.s32 v17, $0xB72FF;
	vm15 =	vgt.s32 v18, $0xB72FF;
	v10 =	vsel vm0, $0x1, v1  }
0x30: {  	v11 =	vsel vm1, $0x1, v1;
	vm1 =	vgt.s32 v19, $0x3D0FF;
	vm0 =	vgt.s32 v19, $0x7A1FF  }
0x31: {  	v13 =	vsel vm2, $0x1, v1;
	v14 =	vsel vm3, $0x1, v1;
	v15 =	vsel vm4, $0x1, v1  }
0x32: {  	v16 =	vsel vm5, $0x1, v1;
	v21 =	vsel vm6, $0x1, v1;
	v22 =	vsel vm7, $0x1, v1  }
0x33: {  	v24 =	vsel vm9, $0x1, v1;
	vm9 =	vgt.s32 v30, $0xB72FF;
	v25 =	vsel vm12, $0x1, v1  }
0x34: {  	v26 =	vsel vm13, $0x1, v1;
	vm12 =	vgt.s32 v29, $0xB72FF;
	vm13 =	vgt.s32 v33, $0xB72FF  }
0x35: {  	v35 =	vsel vm14, $0x1, v1;
	v36 =	vsel vm15, $0x1, v1;
	v10 =	vadd.s32 v11, v10  }
0x36: {  	v11 =	vsel vm8, $0x1, v1;
	vm8 =	vgt.s32 v17, $0x3D0FF;
	v12 =	vsel vm0, $0x1, v1  }
0x37: {  	v13 =	vadd.s32 v14, v13;
	v14 =	vadd.s32 v16, v15;
	v15 =	vadd.s32 v22, v21  }
0x38: {  	v34 =	vsel vm13, $0x1, v1;
	v10 =	vadd.s32 v11, v10;
	v23 =	vsel vm8, $0x1, v1  }
0x39: {  	v11 =	vmul.u32 $0x3FFC2F00, v10;
	v16 =	vadd.s32 v24, v23;
	v23 =	vsel vm12, $0x1, v1  }
0x3a: {  	v32 =	vadd.s32 v26, v25;
	v24 =	vadd.s32 v23, v14;
	v23 =	vadd.s32 v34, v15  }
0x3b: {  	v9 =	vadd.s32 v9, v11;
	v11 =	vsel vm1, $0x1, v1;
	v63 =	vmul.u32 $0x3FFC2F00, v24  }
0x3c: {  	v9 =	vshll.u32 v9, $0x2;
	v28 =	vadd.s32 v12, v11;
	v12 =	vsel vm9, $0x1, v1  }
0x3d: {  	v14 =	vld [tilespmem:$0x3250];
	v31 =	vadd.s32 v10, v9;
	v9 =	vsel vm10, $0x1, v1;
	v10 =	vsel vm11, $0x1, v1  }
0x3e: {  	v15 =	vld [tilespmem:$0x3260];
	vm10 =	vgt.s32 v19, $0xB72FF;
	vm11 =	vgt.s32 v20, $0xB72FF;
	v27 =	vadd.s32 v10, v9  }
0x3f: {  	v11 =	vld [tilespmem:$0x3220];
	v21 =	vsel vm10, $0x1, v1;
	v22 =	vsel vm11, $0x1, v1;
	v25 =	vadd.s32 v12, v27  }
0x40: {  	v27 =	vadd.s32 v21, v28;
	v26 =	vadd.s32 v22, v13;
	v22 =	vadd.s32 v35, v16;
	v16 =	vld [tilespmem:$0x3270]  }
0x41: {  	v37 =	vmul.u32 $0x3FFC2F00, v23;
	v10 =	vld [tilespmem:$0x3210];
	v60 =	vmul.u32 $0x3FFC2F00, v25;
	v61 =	vmul.u32 $0x3FFC2F00, v27  }
0x42: {  	v9 =	vld [tilespmem:$0x3200];
	v21 =	vadd.s32 v36, v32;
	v62 =	vmul.u32 $0x3FFC2F00, v26;
	v28 =	vmul.u32 $0x3FFC2F00, v22  }
0x43: {  	s0 =	simm.s32 $0x1940;
	v13 =	vld [tilespmem:$0x3240];
	v32 =	vadd.s32 v30, v60;
	v30 =	vadd.s32 v19, v61;
	v19 =	vmul.u32 $0x3FFC2F00, v21  }
0x44: {  	s1 =	simm.s32 $0x0;
	s2 =	simm.s32 $0xC0;
	v12 =	vld [tilespmem:$0x3230];
	[tilespmem:s0+$0x30] =	vst v31;
	v31 =	vadd.s32 v20, v62;
	v20 =	vadd.s32 v29, v63;
	v29 =	vadd.s32 v33, v37  }
.LBB2_2:
0x45: {  	v33 =	vld [tilespmem:s2+$0x30];
	s1 =	sadd.s32 $0x8, s1;
	v32 =	vshll.u32 v32, $0x2;
	v17 =	vadd.s32 v17, v28;
	v18 =	vadd.s32 v18, v19  }
0x46: {  	v28 =	vshll.u32 v30, $0x2;
	v30 =	vshll.u32 v31, $0x2;
	v31 =	vshll.u32 v20, $0x2;
	v19 =	vld [tilespmem:s2+$0xFFFFFFD0];
	p0 =	slt.u32 s1, $0x188  }
0x47: {  	v29 =	vshll.u32 v29, $0x2;
	v17 =	vshll.u32 v17, $0x2;
	v18 =	vshll.u32 v18, $0x2;
	v20 =	vld [tilespmem:s2+$0xFFFFFFE0]  }
0x48: {  	v25 =	vadd.s32 v25, v32;
	v27 =	vadd.s32 v27, v28;
	v26 =	vadd.s32 v26, v30;
	v34 =	vld [tilespmem:s2+$0xFFFFFFF0]  }
0x49: {  	v24 =	vadd.s32 v24, v31;
	v23 =	vadd.s32 v23, v29;
	v22 =	vadd.s32 v22, v17;
	v35 =	vld [tilespmem:s2+$0x0];
	[tilespmem:s0+$0xFFFFFFC0] =	vst v25  }
0x4a: {  	v21 =	vadd.s32 v21, v18;
	v17 =	vld [tilespmem:s2+$0x10];
	vm0 =	vgt.s32 v33, $0x3D0FF;
	vm1 =	vgt.s32 v33, $0x7A1FF;
	[tilespmem:s0+$0xFFFFFFD0] =	vst v27  }
0x4b: {  	v18 =	vld [tilespmem:s2+$0x20];
	v25 =	vsel vm0, $0x1, v1;
	v27 =	vsel vm1, $0x1, v1;
	vm1 =	vgt.s32 v33, $0xB72FF;
	[tilespmem:s0+$0xFFFFFFE0] =	vst v26  }
0x4c: {  	vm0 =	vgt.s32 v19, $0x3D0FF;
	v29 =	vld [tilespmem:s2+$0xFFFFFFC0];
	v25 =	vadd.s32 v27, v25;
	v26 =	vsel vm1, $0x1, v1;
	[tilespmem:s0+$0xFFFFFFF0] =	vst v24  }
0x4d: {  	vm1 =	vgt.s32 v19, $0x7A1FF;
	vm2 =	vgt.s32 v20, $0x3D0FF;
	v24 =	vadd.s32 v26, v25;
	[tilespmem:s0+$0x0] =	vst v23  }
0x4e: {  	vm3 =	vgt.s32 v20, $0x7A1FF;
	vm4 =	vgt.s32 v34, $0x3D0FF;
	v23 =	vmul.u32 $0x3FFC2F00, v24;
	[tilespmem:s0+$0x10] =	vst v22  }
0x4f: {  	vm5 =	vgt.s32 v34, $0x7A1FF;
	vm6 =	vgt.s32 v35, $0x3D0FF;
	vm7 =	vgt.s32 v35, $0x7A1FF;
	[tilespmem:s0+$0x20] =	vst v21  }
0x50: {  	vm8 =	vgt.s32 v17, $0x3D0FF;
	vm9 =	vgt.s32 v17, $0x7A1FF;
	v21 =	vadd.s32 v33, v23  }
0x51: {  	vm10 =	vgt.s32 v29, $0x3D0FF;
	vm11 =	vgt.s32 v29, $0x7A1FF;
	v21 =	vshll.u32 v21, $0x2  }
0x52: {  	s0 =	sadd.s32 $0x80, s0;
	vm12 =	vgt.s32 v18, $0x3D0FF;
	vm13 =	vgt.s32 v18, $0x7A1FF;
	v21 =	vadd.s32 v24, v21  }
0x53: {  	v22 =	vsel vm10, $0x1, v1;
	v23 =	vsel vm11, $0x1, v1;
	v24 =	vsel vm0, $0x1, v1;
	[tilespmem:s0+$0x30] =	vst v21  }
0x54: {  	v25 =	vsel vm2, $0x1, v1;
	v26 =	vsel vm3, $0x1, v1;
	v21 =	vsel vm1, $0x1, v1  }
0x55: {  	v27 =	vsel vm4, $0x1, v1;
	v28 =	vsel vm5, $0x1, v1;
	v30 =	vsel vm6, $0x1, v1  }
0x56: {  	v31 =	vsel vm7, $0x1, v1;
	v32 =	vsel vm8, $0x1, v1;
	v33 =	vsel vm9, $0x1, v1  }
0x57: {  	v36 =	vsel vm12, $0x1, v1;
	v37 =	vsel vm13, $0x1, v1;
	vm0 =	vgt.s32 v29, $0xB72FF  }
0x58: {  	vm2 =	vgt.s32 v20, $0xB72FF;
	vm3 =	vgt.s32 v34, $0xB72FF;
	vm1 =	vgt.s32 v19, $0xB72FF  }
0x59: {  	vm4 =	vgt.s32 v35, $0xB72FF;
	vm5 =	vgt.s32 v17, $0xB72FF;
	vm6 =	vgt.s32 v18, $0xB72FF  }
0x5a: {  	v22 =	vadd.s32 v23, v22;
	v23 =	vadd.s32 v26, v25;
	v21 =	vadd.s32 v21, v24  }
0x5b: {  	v24 =	vadd.s32 v28, v27;
	v28 =	vadd.s32 v31, v30;
	v30 =	vadd.s32 v33, v32  }
0x5c: {  	v25 =	vsel vm0, $0x1, v1;
	v26 =	vsel vm1, $0x1, v1;
	v31 =	vadd.s32 v37, v36  }
0x5d: {  	v32 =	vsel vm2, $0x1, v1;
	v33 =	vsel vm3, $0x1, v1;
	v36 =	vsel vm4, $0x1, v1  }
0x5e: {  	v25 =	vadd.s32 v25, v22;
	v22 =	vsel vm5, $0x1, v1;
	v37 =	vsel vm6, $0x1, v1  }
0x5f: {  	v27 =	vadd.s32 v26, v21;
	v26 =	vadd.s32 v32, v23;
	v24 =	vadd.s32 v33, v24  }
.Ltmp2:
0x60: {  	v23 =	vadd.s32 v36, v28;
	v22 =	vadd.s32 v22, v30;
	v21 =	vadd.s32 v37, v31;
	(pc) =	sbr.rel @p0 .LBB2_2-.Ltmp2, $4  }
0x61: {  	v30 =	vmul.u32 $0x3FFC2F00, v25;
	v31 =	vmul.u32 $0x3FFC2F00, v27;
	v33 =	vmul.u32 $0x3FFC2F00, v26  }
0x62: {  	v36 =	vmul.u32 $0x3FFC2F00, v24;
	v37 =	vmul.u32 $0x3FFC2F00, v23;
	v28 =	vmul.u32 $0x3FFC2F00, v22  }
0x63: {  	v32 =	vadd.s32 v29, v30;
	v30 =	vadd.s32 v19, v31;
	v19 =	vmul.u32 $0x3FFC2F00, v21  }
0x64: {  	s2 =	sadd.s32 $0x80, s2;
	v31 =	vadd.s32 v20, v33;
	v20 =	vadd.s32 v34, v36;
	v29 =	vadd.s32 v35, v37  }
0x65: {  	v32 =	vshll.u32 v32, $0x2  }
0x66: {  	v30 =	vshll.u32 v30, $0x2;
	v25 =	vadd.s32 v25, v32  }
0x67: {  	v31 =	vshll.u32 v31, $0x2;
	v27 =	vadd.s32 v27, v30;
	[tilespmem:s0+$0xFFFFFFC0] =	vst v25  }
0x68: {  	v20 =	vshll.u32 v20, $0x2;
	v62 =	vadd.s32 v26, v31;
	[tilespmem:s0+$0xFFFFFFD0] =	vst v27  }
0x69: {  	v17 =	vadd.s32 v17, v28;
	v63 =	vshll.u32 v29, $0x2;
	v20 =	vadd.s32 v24, v20;
	[tilespmem:s0+$0xFFFFFFE0] =	vst v62  }
0x6a: {  	v18 =	vadd.s32 v18, v19;
	v17 =	vshll.u32 v17, $0x2;
	v19 =	vadd.s32 v23, v63;
	[tilespmem:s0+$0xFFFFFFF0] =	vst v20  }
0x6b: {  	v18 =	vshll.u32 v18, $0x2;
	v17 =	vadd.s32 v22, v17;
	[tilespmem:s0+$0x0] =	vst v19  }
0x6c: {  	v18 =	vadd.s32 v21, v18;
	[tilespmem:s0+$0x10] =	vst v17  }
0x6d: {  	s30 =	simm.s32 $0x1900;
	[tilespmem:s0+$0x20] =	vst v18  }
0x6e: {  	[tilespmem:s14], [sflag:$0x1] =	stream.indirect.gather [hbm4b:s5+s12], $0x20, s30, s12, $0xb8;
	[tilespmem:$0xD280] =	vst v63  }
0x6f: {  	s31 =	simm.s32 $0x1980;
	s24 =	simm.s32 $0x0  }
0x70: {  	[tilespmem:s16], [sflag:$0x2] =	stream.indirect.gather [hbm4b:s5+s12], $0x20, s31, s12, $0xb8;
	[tilespmem:$0xD280] =	vst v63  }
.LBB2_4:
0x71: {  	_ =	swait.ge [sflag:s17], $0x1000;
	s10 =	simm.s32 $0x40  }
0x72: {  	p0 =	seq.s32 s24, $0x0;
	s8 =	simm.s32 $0x20;
	[sflag:s17] =	ssyncset.done $0x0;
	v17 =	vor.u32 s10, v0  }
0x73: {  	s0 =	simm.s32 @!p0 $0x3;
	v18 =	vor.u32 s8, v0;
	[sflag:s17] =	ssyncadd.s32 $0xFFFFF000  }
0x74: {  	_ =	swait.ge @!p0 [sflag:s0], $0x4000  }
0x75: {  	[sflag:s0] =	ssyncset.done @!p0 $0x0  }
0x76: {  	[sflag:s0] =	ssyncadd.s32 @!p0 $0xFFFFC000;
	s0 =	simm.s32 $0x60  }
0x77: {  	v19 =	vor.u32 s0, v0;
	v17 =	vld.idx.msk [tilespmem:v17+s14+$0x0], $0xffff  }
0x78: {  	v18 =	vld.idx.msk [tilespmem:v18+s14+$0x0], $0xffff;
	_ =	sdelay $0x1  }
0x79: {  	v20 =	vor.u32 s10, v2  }
0x7a: {  	v21 =	vor.u32 s8, v2  }
0x7b: {  	s2 =	simm.s32 $0x0;
	v19 =	vld.idx.msk [tilespmem:v19+s14+$0x0], $0xffff;
	v17 =	vmul.f32 v17, v9  }
0x7c: {  	s28 =	simm.s32 $0x5380;
	v22 =	vor.u32 s2, v0;
	v18 =	vmul.f32 v18, v9  }
0x7d: {  	[tilespmem:s28+$0x0] =	vst v17  }
0x7e: {  	v17 =	vor.u32 s0, v2;
	[tilespmem:s28+$0xFFFFFF80] =	vst v18;
	v18 =	vld.idx.msk [tilespmem:v20+s14+$0x0], $0xffff  }
0x7f: {  	v20 =	vld.idx.msk [tilespmem:v21+s14+$0x0], $0xffff  }
0x80: {  	v19 =	vmul.f32 v19, v9  }
0x81: {  	v21 =	vld.idx.msk [tilespmem:v22+s14+$0x0], $0xffff;
	v22 =	vor.u32 s10, v3  }
0x82: {  	[tilespmem:s28+$0x80] =	vst v19;
	v19 =	vor.u32 s8, v3  }
0x83: {  	v17 =	vld.idx.msk [tilespmem:v17+s14+$0x0], $0xffff;
	v18 =	vmul.f32 v18, v10  }
0x84: {  	s30 =	simm.s32 $0xA0;
	v23 =	vor.u32 s2, v2;
	v20 =	vmul.f32 v20, v10  }
0x85: {  	v24 =	vor.u32 s30, v0;
	[tilespmem:s28+$0x10] =	vst v18  }
0x86: {  	s31 =	simm.s32 $0xC0;
	v21 =	vmul.f32 v21, v9;
	v18 =	vor.u32 s0, v3;
	[tilespmem:s28+$0xFFFFFF90] =	vst v20;
	v20 =	vld.idx.msk [tilespmem:v22+s14+$0x0], $0xffff  }
0x87: {  	s29 =	simm.s32 $0xE0;
	v22 =	vor.u32 s31, v0;
	v19 =	vld.idx.msk [tilespmem:v19+s14+$0x0], $0xffff  }
0x88: {  	[tilespmem:s28+$0xFFFFFF00] =	vst v21;
	v21 =	vor.u32 s29, v0;
	v17 =	vmul.f32 v17, v10  }
0x89: {  	v25 =	vor.u32 s10, v4;
	v23 =	vld.idx.msk [tilespmem:v23+s14+$0x0], $0xffff  }
0x8a: {  	s1 =	simm.s32 $0x80;
	v24 =	vld.idx.msk [tilespmem:v24+s14+$0x0], $0xffff;
	[tilespmem:s28+$0x90] =	vst v17;
	v17 =	vor.u32 s8, v4  }
0x8b: {  	v26 =	vor.u32 s1, v0;
	v18 =	vld.idx.msk [tilespmem:v18+s14+$0x0], $0xffff;
	v20 =	vmul.f32 v20, v11  }
0x8c: {  	v27 =	vor.u32 s2, v3;
	v22 =	vld.idx.msk [tilespmem:v22+s14+$0x0], $0xffff;
	v19 =	vmul.f32 v19, v11  }
0x8d: {  	v21 =	vld.idx.msk [tilespmem:v21+s14+$0x0], $0xffff;
	[tilespmem:s28+$0x20] =	vst v20;
	v20 =	vor.u32 s30, v2  }
0x8e: {  	v23 =	vmul.f32 v23, v10;
	[tilespmem:s28+$0xFFFFFFA0] =	vst v19;
	v19 =	vor.u32 s0, v4;
	v25 =	vld.idx.msk [tilespmem:v25+s14+$0x0], $0xffff  }
0x8f: {  	v28 =	vor.u32 s31, v2;
	v24 =	vmul.f32 v24, v9;
	v17 =	vld.idx.msk [tilespmem:v17+s14+$0x0], $0xffff  }
0x90: {  	s26 =	simm.s32 $0x5580;
	[tilespmem:s28+$0xFFFFFF10] =	vst v23;
	v23 =	vld.idx.msk [tilespmem:v26+s14+$0x0], $0xffff;
	v26 =	vor.u32 s29, v2;
	v18 =	vmul.f32 v18, v11  }
0x91: {  	[tilespmem:s26+$0xFFFFFF80] =	vst v24;
	v24 =	vld.idx.msk [tilespmem:v27+s14+$0x0], $0xffff;
	v27 =	vor.u32 s10, v5;
	v22 =	vmul.f32 v22, v9  }
0x92: {  	[tilespmem:s28+$0xA0] =	vst v18;
	v18 =	vmul.f32 v21, v9;
	v21 =	vor.u32 s8, v5;
	v20 =	vld.idx.msk [tilespmem:v20+s14+$0x0], $0xffff  }
0x93: {  	v29 =	vor.u32 s1, v2;
	[tilespmem:s26+$0x0] =	vst v22;
	v19 =	vld.idx.msk [tilespmem:v19+s14+$0x0], $0xffff;
	v22 =	vmul.f32 v25, v12  }
0x94: {  	v25 =	vor.u32 s2, v4;
	[tilespmem:s26+$0x80] =	vst v18;
	v17 =	vmul.f32 v17, v12;
	v18 =	vld.idx.msk [tilespmem:v28+s14+$0x0], $0xffff  }
0x95: {  	v23 =	vmul.f32 v23, v9;
	[tilespmem:s28+$0x30] =	vst v22;
	v22 =	vld.idx.msk [tilespmem:v26+s14+$0x0], $0xffff;
	v26 =	vor.u32 s30, v3  }
0x96: {  	v24 =	vmul.f32 v24, v11;
	[tilespmem:s28+$0xFFFFFFB0] =	vst v17;
	v17 =	vld.idx.msk [tilespmem:v27+s14+$0x0], $0xffff;
	v27 =	vor.u32 s0, v5  }
0x97: {  	[tilespmem:s26+$0xFFFFFF00] =	vst v23;
	v23 =	vor.u32 s31, v3;
	v21 =	vld.idx.msk [tilespmem:v21+s14+$0x0], $0xffff;
	v20 =	vmul.f32 v20, v10  }
0x98: {  	v28 =	vor.u32 s29, v3;
	v29 =	vld.idx.msk [tilespmem:v29+s14+$0x0], $0xffff;
	[tilespmem:s28+$0xFFFFFF20] =	vst v24;
	v19 =	vmul.f32 v19, v12  }
0x99: {  	v24 =	vor.u32 s10, v6;
	[tilespmem:s26+$0xFFFFFF90] =	vst v20;
	v18 =	vmul.f32 v18, v10;
	v20 =	vld.idx.msk [tilespmem:v25+s14+$0x0], $0xffff  }
0x9a: {  	s11 =	simm.s32 $0x160;
	[tilespmem:s28+$0xB0] =	vst v19;
	v19 =	vor.u32 s8, v6;
	v25 =	vld.idx.msk [tilespmem:v26+s14+$0x0], $0xffff;
	v22 =	vmul.f32 v22, v10  }
0x9b: {  	s13 =	simm.s32 $0x100;
	v26 =	vor.u32 s11, v0;
	[tilespmem:s26+$0x10] =	vst v18;
	v18 =	vld.idx.msk [tilespmem:v27+s14+$0x0], $0xffff;
	v17 =	vmul.f32 v17, v13  }
0x9c: {  	s15 =	simm.s32 $0x120;
	v27 =	vor.u32 s13, v0;
	v21 =	vmul.f32 v21, v13;
	v23 =	vld.idx.msk [tilespmem:v23+s14+$0x0], $0xffff;
	[tilespmem:s26+$0x90] =	vst v22  }
0x9d: {  	v22 =	vor.u32 s15, v0;
	v28 =	vld.idx.msk [tilespmem:v28+s14+$0x0], $0xffff;
	[tilespmem:s28+$0x40] =	vst v17  }
0x9e: {  	s6 =	simm.s32 $0x140;
	[tilespmem:s28+$0xFFFFFFC0] =	vst v21;
	v17 =	vld.idx.msk [tilespmem:v24+s14+$0x0], $0xffff;
	v21 =	vor.u32 s2, v5  }
0x9f: {  	v24 =	vmul.f32 v29, v10;
	v29 =	vor.u32 s6, v0;
	v19 =	vld.idx.msk [tilespmem:v19+s14+$0x0], $0xffff  }
0xa0: {  	v30 =	vor.u32 s30, v4;
	v20 =	vmul.f32 v20, v12;
	v26 =	vld.idx.msk [tilespmem:v26+s14+$0x0], $0xffff  }
0xa1: {  	[tilespmem:s26+$0xFFFFFF10] =	vst v24;
	v24 =	vmul.f32 v25, v11;
	v25 =	vld.idx.msk [tilespmem:v27+s14+$0x0], $0xffff;
	v27 =	vor.u32 s10, v7  }
0xa2: {  	[tilespmem:s28+$0xFFFFFF30] =	vst v20;
	v20 =	vmul.f32 v23, v11;
	v22 =	vld.idx.msk [tilespmem:v22+s14+$0x0], $0xffff;
	v23 =	vor.u32 s29, v4  }
0xa3: {  	[tilespmem:s26+$0xFFFFFFA0] =	vst v24;
	v24 =	vor.u32 s31, v4;
	v21 =	vld.idx.msk [tilespmem:v21+s14+$0x0], $0xffff;
	v17 =	vmul.f32 v17, v14  }
0xa4: {  	v31 =	vor.u32 s8, v7;
	v28 =	vmul.f32 v28, v11;
	[tilespmem:s26+$0x20] =	vst v20;
	v20 =	vld.idx.msk [tilespmem:v29+s14+$0x0], $0xffff  }
0xa5: {  	v29 =	vor.u32 s0, v6;
	v30 =	vld.idx.msk [tilespmem:v30+s14+$0x0], $0xffff;
	v19 =	vmul.f32 v19, v14;
	[tilespmem:s28+$0x50] =	vst v17  }
0xa6: {  	[tilespmem:s26+$0xA0] =	vst v28;
	v28 =	vor.u32 s13, v2;
	v17 =	vmul.f32 v18, v13;
	v27 =	vld.idx.msk [tilespmem:v27+s14+$0x0], $0xffff  }
0xa7: {  	v18 =	vor.u32 s1, v3;
	[tilespmem:s28+$0xFFFFFFD0] =	vst v19;
	v19 =	vmul.f32 v25, v9;
	v23 =	vld.idx.msk [tilespmem:v23+s14+$0x0], $0xffff  }
0xa8: {  	s22 =	simm.s32 $0x5780;
	v25 =	vor.u32 s6, v2;
	[tilespmem:s28+$0xC0] =	vst v17;
	v17 =	vmul.f32 v22, v9;
	v22 =	vld.idx.msk [tilespmem:v24+s14+$0x0], $0xffff  }
0xa9: {  	v24 =	vor.u32 s2, v6;
	v31 =	vld.idx.msk [tilespmem:v31+s14+$0x0], $0xffff;
	[tilespmem:s22+$0xFFFFFF00] =	vst v19;
	v19 =	vmul.f32 v26, v9  }
0xaa: {  	v26 =	vld.idx.msk [tilespmem:v29+s14+$0x0], $0xffff;
	v29 =	vor.u32 s15, v2;
	v20 =	vmul.f32 v20, v9;
	[tilespmem:s22+$0xFFFFFF80] =	vst v17  }
0xab: {  	v17 =	vmul.f32 v21, v13;
	v28 =	vld.idx.msk [tilespmem:v28+s14+$0x0], $0xffff;
	[tilespmem:s22+$0x80] =	vst v19;
	v19 =	vor.u32 s10, v8  }
0xac: {  	v32 =	vor.u32 s31, v5;
	v30 =	vmul.f32 v30, v12;
	v18 =	vld.idx.msk [tilespmem:v18+s14+$0x0], $0xffff;
	[tilespmem:s22+$0x0] =	vst v20  }
0xad: {  	[tilespmem:s28+$0xFFFFFF40] =	vst v17;
	v17 =	vor.u32 s11, v2;
	v20 =	vmul.f32 v27, v15;
	v21 =	vld.idx.msk [tilespmem:v25+s14+$0x0], $0xffff  }
0xae: {  	[tilespmem:s26+$0xFFFFFFB0] =	vst v30;
	v33 =	vld.idx.msk [tilespmem:v24+s14+$0x0], $0xffff;
	v24 =	vor.u32 s30, v5;
	v22 =	vmul.f32 v22, v12  }
0xaf: {  	v34 =	vor.u32 s0, v7;
	v25 =	vmul.f32 v23, v12;
	v29 =	vld.idx.msk [tilespmem:v29+s14+$0x0], $0xffff;
	[tilespmem:s28+$0x60] =	vst v20  }
0xb0: {  	v35 =	vor.u32 s8, v8;
	[tilespmem:s26+$0x30] =	vst v22;
	v22 =	vmul.f32 v31, v15;
	v23 =	vld.idx.msk [tilespmem:v19+s14+$0x0], $0xffff  }
0xb1: {  	v27 =	vor.u32 s2, v7;
	[tilespmem:s26+$0xB0] =	vst v25;
	v20 =	vld.idx.msk [tilespmem:v32+s14+$0x0], $0xffff;
	v19 =	vmul.f32 v26, v14  }
0xb2: {  	v25 =	vor.u32 s1, v4;
	v30 =	vmul.f32 v28, v10;
	v26 =	vld.idx.msk [tilespmem:v17+s14+$0x0], $0xffff;
	[tilespmem:s28+$0xFFFFFFE0] =	vst v22  }
0xb3: {  	v28 =	vor.u32 s15, v3;
	v24 =	vld.idx.msk [tilespmem:v24+s14+$0x0], $0xffff;
	v22 =	vmul.f32 v33, v14;
	[tilespmem:s28+$0xD0] =	vst v19  }
0xb4: {  	[tilespmem:s22+$0xFFFFFF10] =	vst v30;
	v30 =	vmul.f32 v18, v11;
	v19 =	vor.u32 s29, v5;
	v18 =	vld.idx.msk [tilespmem:v34+s14+$0x0], $0xffff  }
0xb5: {  	s25 =	sshll.u32 s24, $0xA;
	s8 =	simm.s32 $0x5780;
	s10 =	simm.s32 $0xC;
	v17 =	vor.u32 s11, v3;
	v31 =	vmul.f32 v29, v10;
	v29 =	vor.u32 s6, v3;
	[tilespmem:s28+$0xFFFFFF50] =	vst v22;
	v22 =	vld.idx.msk [tilespmem:v35+s14+$0x0], $0xffff  }
.LBB2_5:
0xb6: {  	s18 =	sshll.u32 s10, $0x5;
	p1 =	slt.u32 s10, $0x7C;
	s10 =	sadd.s32 $0x4, s10;
	[tilespmem:s26+$0xFFFFFF20] =	vst v30;
	v30 =	vor.u32 s31, v6;
	v27 =	vld.idx.msk [tilespmem:v27+s14+$0x0], $0xffff;
	v23 =	vmul.f32 v23, v16  }
0xb7: {  	v21 =	vmul.f32 v21, v10;
	v32 =	vor.u32 s18, v0;
	s23 =	sadd.s32 $0x20, s18;
	s21 =	sadd.s32 $0x60, s18;
	[tilespmem:s22+$0xFFFFFF90] =	vst v31;
	v25 =	vld.idx.msk [tilespmem:v25+s14+$0x0], $0xffff;
	v31 =	vor.u32 s30, v6  }
0xb8: {  	s3 =	sadd.s32 $0x40, s18;
	v26 =	vmul.f32 v26, v10;
	v33 =	vor.u32 s23, v0;
	v34 =	vor.u32 s21, v0;
	v28 =	vld.idx.msk [tilespmem:v28+s14+$0x0], $0xffff;
	[tilespmem:s28+$0x70] =	vst v23  }
0xb9: {  	v23 =	vor.u32 s3, v0;
	v35 =	vor.u32 s21, v3;
	[tilespmem:s22+$0x10] =	vst v21;
	v21 =	vmul.f32 v24, v13;
	v19 =	vld.idx.msk [tilespmem:v19+s14+$0x0], $0xffff  }
0xba: {  	v20 =	vmul.f32 v20, v13;
	v24 =	vld.idx.msk [tilespmem:v29+s14+$0x0], $0xffff;
	[tilespmem:s22+$0x90] =	vst v26;
	v26 =	vor.u32 s2, v8;
	s2 =	smov.u32 s1;
	s1 =	smov.u32 s13;
	s13 =	smov.u32 s18  }
0xbb: {  	v29 =	vld.idx.msk [tilespmem:v17+s14+$0x0], $0xffff;
	[tilespmem:s26+$0xFFFFFFC0] =	vst v21;
	v21 =	vmul.f32 v22, v16;
	v17 =	vmov v35  }
0xbc: {  	v22 =	vld.idx.msk [tilespmem:v31+s14+$0x0], $0xffff;
	[tilespmem:s26+$0x40] =	vst v20;
	v20 =	vmul.f32 v27, v15;
	v27 =	vor.u32 s0, v8;
	s0 =	smov.u32 s29;
	s29 =	smov.u32 s11;
	s11 =	smov.u32 s21  }
0xbd: {  	v25 =	vmul.f32 v25, v12;
	v30 =	vld.idx.msk [tilespmem:v30+s14+$0x0], $0xffff;
	[tilespmem:s28+$0xFFFFFFF0] =	vst v21  }
0xbe: {  	v18 =	vmul.f32 v18, v15;
	v31 =	vor.u32 s2, v5;
	v28 =	vmul.f32 v28, v11;
	v21 =	vld.idx.msk [tilespmem:v34+s14+$0x0], $0xffff;
	[tilespmem:s28+$0xFFFFFF60] =	vst v20  }
0xbf: {  	v19 =	vmul.f32 v19, v13;
	[tilespmem:s26+$0xFFFFFF30] =	vst v25;
	v20 =	vld.idx.msk [tilespmem:v26+s14+$0x0], $0xffff  }
0xc0: {  	v26 =	vor.u32 s13, v2;
	v24 =	vmul.f32 v24, v11;
	v25 =	vld.idx.msk [tilespmem:v32+s14+$0x0], $0xffff;
	[tilespmem:s22+$0xFFFFFFA0] =	vst v28;
	v28 =	vor.u32 s15, v4  }
0xc1: {  	v29 =	vmul.f32 v29, v11;
	v32 =	vld.idx.msk [tilespmem:v33+s14+$0x0], $0xffff;
	v33 =	vor.u32 s31, v7;
	[tilespmem:s28+$0xE0] =	vst v18  }
0xc2: {  	v18 =	vor.u32 s29, v4;
	v22 =	vmul.f32 v22, v14;
	[tilespmem:s22+$0x20] =	vst v24;
	v24 =	vld.idx.msk [tilespmem:v27+s14+$0x0], $0xffff  }
0xc3: {  	v27 =	vor.u32 s6, v4;
	s22 =	sadd.s32 $0x200, s22;
	v30 =	vmul.f32 v30, v14;
	[tilespmem:s8+$0xA0] =	vst v29;
	v29 =	vld.idx.msk [tilespmem:v31+s14+$0x0], $0xffff  }
0xc4: {  	v31 =	vor.u32 s23, v2;
	v23 =	vld.idx.msk [tilespmem:v23+s14+$0x0], $0xffff;
	[tilespmem:s26+$0xFFFFFFD0] =	vst v22;
	v22 =	vor.u32 s0, v6  }
0xc5: {  	v35 =	vor.u32 s30, v7;
	v34 =	vor.u32 s1, v3;
	v20 =	vmul.f32 v20, v16;
	v28 =	vld.idx.msk [tilespmem:v28+s14+$0x0], $0xffff;
	[tilespmem:s26+$0x50] =	vst v30  }
0xc6: {  	v36 =	vor.u32 s11, v2;
	v25 =	vmul.f32 v25, v9;
	v30 =	vor.u32 s3, v2;
	v33 =	vld.idx.msk [tilespmem:v33+s14+$0x0], $0xffff;
	[tilespmem:s26+$0xC0] =	vst v19  }
0xc7: {  	v19 =	vmul.f32 v32, v9;
	v18 =	vld.idx.msk [tilespmem:v18+s14+$0x0], $0xffff;
	[tilespmem:s28+$0xFFFFFF70] =	vst v20  }
0xc8: {  	v20 =	vmul.f32 v21, v9;
	v21 =	vor.u32 s2, v6;
	v24 =	vmul.f32 v24, v16;
	[tilespmem:s22+$0xFFFFFF00] =	vst v25;
	v25 =	vld.idx.msk [tilespmem:v27+s14+$0x0], $0xffff  }
0xc9: {  	[tilespmem:s22+$0xFFFFFF80] =	vst v19;
	v19 =	vld.idx.msk [tilespmem:v22+s14+$0x0], $0xffff  }
0xca: {  	v22 =	vmul.f32 v23, v9;
	v23 =	vmul.f32 v29, v13;
	v27 =	vld.idx.msk [tilespmem:v35+s14+$0x0], $0xffff;
	[tilespmem:s28+$0xF0] =	vst v24;
	s28 =	smov.u32 s26;
	s26 =	smov.u32 s8;
	s8 =	smov.u32 s22  }
0xcb: {  	v24 =	vor.u32 s31, v8;
	s31 =	smov.u32 s6;
	s6 =	smov.u32 s3;
	[tilespmem:s22+$0x80] =	vst v20;
	v29 =	vld.idx.msk [tilespmem:v34+s14+$0x0], $0xffff;
	v20 =	vmul.f32 v28, v12  }
0xcc: {  	v28 =	vor.u32 s31, v5;
	v26 =	vld.idx.msk [tilespmem:v26+s14+$0x0], $0xffff;
	[tilespmem:s28+$0xFFFFFF40] =	vst v23  }
0xcd: {  	v23 =	vmul.f32 v33, v15;
	[tilespmem:s22+$0x0] =	vst v22;
	v22 =	vld.idx.msk [tilespmem:v21+s14+$0x0], $0xffff  }
0xce: {  	v21 =	vld.idx.msk [tilespmem:v30+s14+$0x0], $0xffff;
	[tilespmem:s26+$0xFFFFFFB0] =	vst v20;
	v30 =	vor.u32 s15, v5;
	v20 =	vmul.f32 v25, v12  }
0xcf: {  	v32 =	vor.u32 s0, v7;
	v18 =	vmul.f32 v18, v12;
	v31 =	vld.idx.msk [tilespmem:v31+s14+$0x0], $0xffff;
	[tilespmem:s28+$0x60] =	vst v23  }
0xd0: {  	v34 =	vor.u32 s30, v8;
	s30 =	smov.u32 s15;
	s15 =	smov.u32 s23;
	v33 =	vmul.f32 v27, v15;
	[tilespmem:s26+$0x30] =	vst v20;
	v23 =	vld.idx.msk [tilespmem:v24+s14+$0x0], $0xffff  }
.Ltmp3:
0xd1: {  	v27 =	vor.u32 s2, v7;
	v20 =	vld.idx.msk [tilespmem:v28+s14+$0x0], $0xffff;
	[tilespmem:s26+$0xB0] =	vst v18;
	v18 =	vmul.f32 v19, v14;
	(pc) =	sbr.rel @p1 .LBB2_5-.Ltmp3, $4  }
0xd2: {  	v25 =	vor.u32 s1, v4;
	v19 =	vmul.f32 v26, v10;
	v26 =	vld.idx.msk [tilespmem:v36+s14+$0x0], $0xffff;
	[tilespmem:s28+$0xFFFFFFE0] =	vst v33  }
0xd3: {  	v28 =	vor.u32 s15, v3;
	v22 =	vmul.f32 v22, v14;
	v24 =	vld.idx.msk [tilespmem:v30+s14+$0x0], $0xffff;
	[tilespmem:s28+$0xD0] =	vst v18  }
0xd4: {  	v30 =	vmul.f32 v29, v11;
	[tilespmem:s22+$0xFFFFFF10] =	vst v19;
	v19 =	vor.u32 s29, v5;
	v18 =	vld.idx.msk [tilespmem:v32+s14+$0x0], $0xffff  }
0xd5: {  	v29 =	vor.u32 s6, v3;
	v31 =	vmul.f32 v31, v10;
	[tilespmem:s28+$0xFFFFFF50] =	vst v22;
	v22 =	vld.idx.msk [tilespmem:v34+s14+$0x0], $0xffff  }
0xd6: {  	_ = 	snop  }
0xd7: {  	v21 =	vmul.f32 v21, v10;
	v32 =	vor.u32 s13, v3;
	_ =	sdelay $0x1  }
0xd8: {  	[tilespmem:s22+$0x10] =	vst v21  }
0xd9: {  	[tilespmem:s22+$0xFFFFFF90] =	vst v31;
	v37 =	vmul.f32 v26, v10;
	v38 =	vld.idx.msk [tilespmem:v29+s14+$0x0], $0xffff  }
0xda: {  	v28 =	vld.idx.msk [tilespmem:v28+s14+$0x0], $0xffff  }
0xdb: {  	v23 =	vmul.f32 v23, v16;
	[tilespmem:s22+$0x90] =	vst v37;
	v39 =	vld.idx.msk [tilespmem:v32+s14+$0x0], $0xffff  }
0xdc: {  	[tilespmem:s26+$0xFFFFFF20] =	vst v30;
	v40 =	vor.u32 s6, v4;
	v20 =	vmul.f32 v20, v13;
	v17 =	vld.idx.msk [tilespmem:v17+s14+$0x0], $0xffff  }
0xdd: {  	v41 =	vor.u32 s15, v4;
	v24 =	vmul.f32 v24, v13;
	[tilespmem:s28+$0x70] =	vst v23  }
0xde: {  	v43 =	vor.u32 s13, v4;
	[tilespmem:s26+$0x40] =	vst v20;
	v42 =	vmul.f32 v38, v11  }
0xdf: {  	v45 =	vor.u32 s11, v4;
	v25 =	vld.idx.msk [tilespmem:v25+s14+$0x0], $0xffff;
	[tilespmem:s26+$0xFFFFFFC0] =	vst v24;
	v44 =	vmul.f32 v28, v11  }
0xe0: {  	v27 =	vld.idx.msk [tilespmem:v27+s14+$0x0], $0xffff;
	[tilespmem:s22+$0x20] =	vst v42;
	v21 =	vmul.f32 v39, v11  }
0xe1: {  	v47 =	vor.u32 s31, v6;
	[tilespmem:s22+$0xFFFFFFA0] =	vst v44;
	v17 =	vmul.f32 v17, v11;
	v48 =	vld.idx.msk [tilespmem:v40+s14+$0x0], $0xffff  }
0xe2: {  	v49 =	vor.u32 s1, v5;
	v18 =	vmul.f32 v18, v15;
	v23 =	vld.idx.msk [tilespmem:v41+s14+$0x0], $0xffff;
	[tilespmem:s8+$0xFFFFFF20] =	vst v21  }
0xe3: {  	v46 =	vor.u32 s30, v6;
	v22 =	vmul.f32 v22, v16;
	[tilespmem:s8+$0xA0] =	vst v17;
	v17 =	vld.idx.msk [tilespmem:v43+s14+$0x0], $0xffff  }
0xe4: {  	v52 =	vor.u32 s6, v5;
	[tilespmem:s28+$0xE0] =	vst v18;
	v25 =	vmul.f32 v25, v12;
	v51 =	vld.idx.msk [tilespmem:v45+s14+$0x0], $0xffff  }
0xe5: {  	v54 =	vor.u32 s15, v5;
	v19 =	vld.idx.msk [tilespmem:v19+s14+$0x0], $0xffff;
	v50 =	vmul.f32 v27, v15;
	[tilespmem:s28+$0xFFFFFFF0] =	vst v22  }
0xe6: {  	v55 =	vor.u32 s13, v5;
	v24 =	vld.idx.msk [tilespmem:v47+s14+$0x0], $0xffff;
	[tilespmem:s26+$0xFFFFFF30] =	vst v25;
	v20 =	vmul.f32 v48, v12  }
0xe7: {  	v56 =	vor.u32 s11, v5;
	[tilespmem:s28+$0xFFFFFF60] =	vst v50;
	v18 =	vld.idx.msk [tilespmem:v49+s14+$0x0], $0xffff;
	v23 =	vmul.f32 v23, v12  }
0xe8: {  	v57 =	vor.u32 s2, v8;
	v53 =	vld.idx.msk [tilespmem:v46+s14+$0x0], $0xffff;
	[tilespmem:s8+$0x30] =	vst v20;
	v17 =	vmul.f32 v17, v12  }
0xe9: {  	v58 =	vor.u32 s0, v8;
	[tilespmem:s8+$0xFFFFFFB0] =	vst v23;
	v22 =	vmul.f32 v51, v12;
	v59 =	vld.idx.msk [tilespmem:v52+s14+$0x0], $0xffff  }
0xea: {  	v61 =	vor.u32 s1, v6;
	v19 =	vmul.f32 v19, v13;
	v21 =	vld.idx.msk [tilespmem:v54+s14+$0x0], $0xffff;
	[tilespmem:s8+$0xFFFFFF30] =	vst v17  }
0xeb: {  	v62 =	vor.u32 s29, v6;
	[tilespmem:s8+$0xB0] =	vst v22;
	v17 =	vmul.f32 v24, v14;
	v63 =	vld.idx.msk [tilespmem:v55+s14+$0x0], $0xffff  }
0xec: {  	v32 =	vor.u32 s6, v6;
	[tilespmem:s26+$0xC0] =	vst v19;
	v18 =	vmul.f32 v18, v13;
	v33 =	vld.idx.msk [tilespmem:v56+s14+$0x0], $0xffff  }
0xed: {  	v34 =	vld.idx.msk [tilespmem:v57+s14+$0x0], $0xffff;
	v60 =	vmul.f32 v53, v14;
	[tilespmem:s26+$0x50] =	vst v17;
	v17 =	vor.u32 s15, v6  }
0xee: {  	v35 =	vor.u32 s13, v6;
	[tilespmem:s26+$0xFFFFFF40] =	vst v18;
	v20 =	vld.idx.msk [tilespmem:v58+s14+$0x0], $0xffff;
	v18 =	vmul.f32 v59, v13  }
0xef: {  	v36 =	vor.u32 s11, v6;
	[tilespmem:s26+$0xFFFFFFD0] =	vst v60;
	v19 =	vld.idx.msk [tilespmem:v61+s14+$0x0], $0xffff;
	v21 =	vmul.f32 v21, v13  }
0xf0: {  	v37 =	vor.u32 s31, v7;
	v24 =	vld.idx.msk [tilespmem:v62+s14+$0x0], $0xffff;
	[tilespmem:s8+$0x40] =	vst v18;
	v18 =	vmul.f32 v63, v13  }
0xf1: {  	v38 =	vor.u32 s30, v7;
	[tilespmem:s8+$0xFFFFFFC0] =	vst v21;
	v40 =	vmul.f32 v33, v13;
	v39 =	vld.idx.msk [tilespmem:v32+s14+$0x0], $0xffff  }
0xf2: {  	v42 =	vor.u32 s1, v7;
	v41 =	vmul.f32 v34, v16;
	v17 =	vld.idx.msk [tilespmem:v17+s14+$0x0], $0xffff;
	[tilespmem:s8+$0xFFFFFF40] =	vst v18  }
0xf3: {  	v43 =	vor.u32 s29, v7;
	[tilespmem:s8+$0xC0] =	vst v40;
	v18 =	vmul.f32 v20, v16;
	v23 =	vld.idx.msk [tilespmem:v35+s14+$0x0], $0xffff  }
0xf4: {  	v44 =	vor.u32 s6, v7;
	[tilespmem:s28+$0xFFFFFF70] =	vst v41;
	v19 =	vmul.f32 v19, v14;
	v45 =	vld.idx.msk [tilespmem:v36+s14+$0x0], $0xffff  }
0xf5: {  	v47 =	vor.u32 s15, v7;
	v46 =	vld.idx.msk [tilespmem:v37+s14+$0x0], $0xffff;
	[tilespmem:s28+$0xF0] =	vst v18;
	v18 =	vmul.f32 v24, v14  }
0xf6: {  	v48 =	vor.u32 s13, v7;
	v22 =	vld.idx.msk [tilespmem:v38+s14+$0x0], $0xffff;
	[tilespmem:s26+$0xFFFFFF50] =	vst v19;
	v19 =	vmul.f32 v39, v14  }
0xf7: {  	v49 =	vor.u32 s11, v7;
	[tilespmem:s26+$0xD0] =	vst v18;
	v18 =	vld.idx.msk [tilespmem:v42+s14+$0x0], $0xffff;
	v17 =	vmul.f32 v17, v14  }
0xf8: {  	v50 =	vor.u32 s31, v8;
	v20 =	vld.idx.msk [tilespmem:v43+s14+$0x0], $0xffff;
	[tilespmem:s8+$0x50] =	vst v19;
	v19 =	vmul.f32 v23, v14  }
0xf9: {  	v51 =	vor.u32 s30, v8;
	v52 =	vmul.f32 v45, v14;
	[tilespmem:s8+$0xFFFFFFD0] =	vst v17;
	v17 =	vld.idx.msk [tilespmem:v44+s14+$0x0], $0xffff  }
0xfa: {  	v54 =	vor.u32 s1, v8;
	v53 =	vmul.f32 v46, v15;
	v24 =	vld.idx.msk [tilespmem:v47+s14+$0x0], $0xffff;
	[tilespmem:s8+$0xFFFFFF50] =	vst v19  }
0xfb: {  	v55 =	vor.u32 s29, v8;
	[tilespmem:s8+$0xD0] =	vst v52;
	v19 =	vmul.f32 v22, v15;
	v21 =	vld.idx.msk [tilespmem:v48+s14+$0x0], $0xffff  }
0xfc: {  	v56 =	vor.u32 s6, v8;
	[tilespmem:s26+$0x60] =	vst v53;
	v57 =	vld.idx.msk [tilespmem:v49+s14+$0x0], $0xffff;
	v18 =	vmul.f32 v18, v15  }
0xfd: {  	v59 =	vor.u32 s15, v8;
	v58 =	vld.idx.msk [tilespmem:v50+s14+$0x0], $0xffff;
	[tilespmem:s26+$0xFFFFFFE0] =	vst v19;
	v19 =	vmul.f32 v20, v15  }
0xfe: {  	v23 =	vld.idx.msk [tilespmem:v51+s14+$0x0], $0xffff;
	[tilespmem:s26+$0xFFFFFF60] =	vst v18;
	v18 =	vor.u32 s13, v8;
	v17 =	vmul.f32 v17, v15  }
0xff: {  	v60 =	vor.u32 s11, v8;
	v27 =	vld.idx.msk [tilespmem:v54+s14+$0x0], $0xffff;
	[tilespmem:s26+$0xE0] =	vst v19;
	v19 =	vmul.f32 v24, v15  }
0x100: {  	v22 =	vld.idx.msk [tilespmem:v55+s14+$0x0], $0xffff;
	[tilespmem:s8+$0x60] =	vst v17;
	v17 =	vmul.f32 v21, v15  }
0x101: {  	[tilespmem:s8+$0xFFFFFFE0] =	vst v19;
	v19 =	vmul.f32 v57, v15;
	v61 =	vld.idx.msk [tilespmem:v56+s14+$0x0], $0xffff  }
0x102: {  	v62 =	vmul.f32 v58, v16;
	v20 =	vld.idx.msk [tilespmem:v59+s14+$0x0], $0xffff;
	[tilespmem:s8+$0xFFFFFF60] =	vst v17  }
0x103: {  	v17 =	vmul.f32 v23, v16;
	[tilespmem:s8+$0xE0] =	vst v19;
	v18 =	vld.idx.msk [tilespmem:v18+s14+$0x0], $0xffff  }
0x104: {  	[tilespmem:s26+$0x70] =	vst v62;
	v19 =	vmul.f32 v27, v16;
	v63 =	vld.idx.msk [tilespmem:v60+s14+$0x0], $0xffff  }
0x105: {  	[tilespmem:s26+$0xFFFFFFF0] =	vst v17;
	v17 =	vmul.f32 v22, v16  }
0x106: {  	[tilespmem:s26+$0xFFFFFF70] =	vst v19;
	v19 =	vmul.f32 v61, v16  }
0x107: {  	p1 =	sne.s32 s24, $0x18;
	[tilespmem:s26+$0xF0] =	vst v17;
	v17 =	vmul.f32 v20, v16  }
.Ltmp4:
0x108: {  	s29 =	sshll.u32 s24, $0xF;
	[tilespmem:s8+$0x70] =	vst v19;
	v18 =	vmul.f32 v18, v16;
	(pc) =	sbr.rel @p1 .LBB2_8-.Ltmp4, $4  }
0x109: {  	s0 =	sadd.s32 s7, s29;
	[tilespmem:s8+$0xFFFFFFF0] =	vst v17;
	v17 =	vmul.f32 v63, v16  }
0x10a: {  	s30 =	rddreg [dreg:$0x2];
	s0 =	sshrl.u32 s0, $0x3;
	[tilespmem:s8+$0xFFFFFF70] =	vst v18  }
0x10b: {  	s31 =	simm.s32 $0x5280;
	s0 =	sadd.s32 s30, s0;
	[tilespmem:s8+$0xF0] =	vst v17  }
0x10c: {  	[hbm4b:s0+s4] =	stream.linear.scatter [tilespmem:s31], [sflag:$0x3], $0x4000, $0x38;
	[tilespmem:$0xD280] =	vst v63  }
.Ltmp5:
0x10d: {  	(pc) =	sbr.rel .LBB2_9-.Ltmp5, $4  }
0x10e: {  	_ = 	snop  }
0x10f: {  	_ =	swait.ge [sflag:s19], $0x1000  }
0x110: {  	[sflag:s19] =	ssyncset.done $0x0  }
0x111: {  	[sflag:s19] =	ssyncadd.s32 $0xFFFFF000  }
.LBB2_8:
0x112: {  	s0 =	sshrl.u32 s25, $0x2  }
.Ltmp6:
0x113: {  	s0 =	sadd.s32 $0x1A00, s0;
	(pc) =	sbr.rel @p0 .LBB2_10-.Ltmp6, $4  }
0x114: {  	[tilespmem:s14], [sflag:$0x1] =	stream.indirect.gather [hbm4b:s5+s12], $0x20, s0, s12, $0xb8;
	[tilespmem:$0xD280] =	vst v63  }
0x115: {  	_ =	swait.ge [sflag:s19], $0x1000  }
0x116: {  	[sflag:s19] =	ssyncset.done $0x0  }
0x117: {  	[sflag:s19] =	ssyncadd.s32 $0xFFFFF000  }
.LBB2_9:
0x118: {  	_ =	swait.ge [sflag:s20], $0x4000  }
0x119: {  	[sflag:s20] =	ssyncset.done $0x0  }
0x11a: {  	[sflag:s20] =	ssyncadd.s32 $0xFFFFC000  }
.LBB2_10:
0x11b: {  	s10 =	simm.s32 $0x40  }
0x11c: {  	s8 =	simm.s32 $0x20;
	v17 =	vor.u32 s10, v0  }
0x11d: {  	v18 =	vor.u32 s8, v0;
	_ =	sdelay $0x2  }
0x11e: {  	s0 =	simm.s32 $0x60  }
0x11f: {  	v19 =	vor.u32 s0, v0;
	v17 =	vld.idx.msk [tilespmem:v17+s16+$0x0], $0xffff  }
0x120: {  	v18 =	vld.idx.msk [tilespmem:v18+s16+$0x0], $0xffff;
	_ =	sdelay $0x1  }
0x121: {  	v20 =	vor.u32 s10, v2  }
0x122: {  	v21 =	vor.u32 s8, v2  }
0x123: {  	s2 =	simm.s32 $0x0;
	v19 =	vld.idx.msk [tilespmem:v19+s16+$0x0], $0xffff;
	v17 =	vmul.f32 v17, v9  }
0x124: {  	s28 =	simm.s32 $0x9380;
	v22 =	vor.u32 s2, v0;
	v18 =	vmul.f32 v18, v9  }
0x125: {  	[tilespmem:s28+$0x0] =	vst v17  }
0x126: {  	v17 =	vor.u32 s0, v2;
	[tilespmem:s28+$0xFFFFFF80] =	vst v18;
	v18 =	vld.idx.msk [tilespmem:v20+s16+$0x0], $0xffff  }
0x127: {  	v20 =	vld.idx.msk [tilespmem:v21+s16+$0x0], $0xffff  }
0x128: {  	v19 =	vmul.f32 v19, v9  }
0x129: {  	v21 =	vld.idx.msk [tilespmem:v22+s16+$0x0], $0xffff;
	v22 =	vor.u32 s10, v3  }
0x12a: {  	[tilespmem:s28+$0x80] =	vst v19;
	v19 =	vor.u32 s8, v3  }
0x12b: {  	v17 =	vld.idx.msk [tilespmem:v17+s16+$0x0], $0xffff;
	v18 =	vmul.f32 v18, v10  }
0x12c: {  	s30 =	simm.s32 $0xA0;
	v23 =	vor.u32 s2, v2;
	v20 =	vmul.f32 v20, v10  }
0x12d: {  	v24 =	vor.u32 s30, v0;
	[tilespmem:s28+$0x10] =	vst v18  }
0x12e: {  	s1 =	simm.s32 $0xC0;
	v21 =	vmul.f32 v21, v9;
	v18 =	vor.u32 s0, v3;
	[tilespmem:s28+$0xFFFFFF90] =	vst v20;
	v20 =	vld.idx.msk [tilespmem:v22+s16+$0x0], $0xffff  }
0x12f: {  	s29 =	simm.s32 $0xE0;
	v19 =	vld.idx.msk [tilespmem:v19+s16+$0x0], $0xffff;
	v22 =	vor.u32 s1, v0  }
0x130: {  	[tilespmem:s28+$0xFFFFFF00] =	vst v21;
	v21 =	vor.u32 s29, v0;
	v17 =	vmul.f32 v17, v10  }
0x131: {  	v25 =	vor.u32 s10, v4;
	v23 =	vld.idx.msk [tilespmem:v23+s16+$0x0], $0xffff  }
0x132: {  	s31 =	simm.s32 $0x80;
	v24 =	vld.idx.msk [tilespmem:v24+s16+$0x0], $0xffff;
	[tilespmem:s28+$0x90] =	vst v17;
	v17 =	vor.u32 s8, v4  }
0x133: {  	v26 =	vor.u32 s31, v0;
	v18 =	vld.idx.msk [tilespmem:v18+s16+$0x0], $0xffff;
	v20 =	vmul.f32 v20, v11  }
0x134: {  	v27 =	vor.u32 s2, v3;
	v19 =	vmul.f32 v19, v11;
	v22 =	vld.idx.msk [tilespmem:v22+s16+$0x0], $0xffff  }
0x135: {  	v21 =	vld.idx.msk [tilespmem:v21+s16+$0x0], $0xffff;
	[tilespmem:s28+$0x20] =	vst v20;
	v20 =	vor.u32 s30, v2  }
0x136: {  	v23 =	vmul.f32 v23, v10;
	[tilespmem:s28+$0xFFFFFFA0] =	vst v19;
	v19 =	vor.u32 s0, v4;
	v25 =	vld.idx.msk [tilespmem:v25+s16+$0x0], $0xffff  }
0x137: {  	v28 =	vor.u32 s1, v2;
	v24 =	vmul.f32 v24, v9;
	v17 =	vld.idx.msk [tilespmem:v17+s16+$0x0], $0xffff  }
0x138: {  	s26 =	simm.s32 $0x9580;
	[tilespmem:s28+$0xFFFFFF10] =	vst v23;
	v23 =	vld.idx.msk [tilespmem:v26+s16+$0x0], $0xffff;
	v26 =	vor.u32 s29, v2;
	v18 =	vmul.f32 v18, v11  }
0x139: {  	[tilespmem:s26+$0xFFFFFF80] =	vst v24;
	v24 =	vld.idx.msk [tilespmem:v27+s16+$0x0], $0xffff;
	v27 =	vor.u32 s10, v5;
	v22 =	vmul.f32 v22, v9  }
0x13a: {  	[tilespmem:s28+$0xA0] =	vst v18;
	v18 =	vmul.f32 v21, v9;
	v21 =	vor.u32 s8, v5;
	v20 =	vld.idx.msk [tilespmem:v20+s16+$0x0], $0xffff  }
0x13b: {  	v29 =	vor.u32 s31, v2;
	v19 =	vld.idx.msk [tilespmem:v19+s16+$0x0], $0xffff;
	[tilespmem:s26+$0x0] =	vst v22;
	v22 =	vmul.f32 v25, v12  }
0x13c: {  	[tilespmem:s26+$0x80] =	vst v18;
	v17 =	vmul.f32 v17, v12;
	v18 =	vld.idx.msk [tilespmem:v28+s16+$0x0], $0xffff;
	v25 =	vor.u32 s2, v4  }
0x13d: {  	v23 =	vmul.f32 v23, v9;
	[tilespmem:s28+$0x30] =	vst v22;
	v22 =	vld.idx.msk [tilespmem:v26+s16+$0x0], $0xffff;
	v26 =	vor.u32 s30, v3  }
0x13e: {  	v24 =	vmul.f32 v24, v11;
	[tilespmem:s28+$0xFFFFFFB0] =	vst v17;
	v17 =	vld.idx.msk [tilespmem:v27+s16+$0x0], $0xffff;
	v27 =	vor.u32 s0, v5  }
0x13f: {  	[tilespmem:s26+$0xFFFFFF00] =	vst v23;
	v23 =	vor.u32 s1, v3;
	v21 =	vld.idx.msk [tilespmem:v21+s16+$0x0], $0xffff;
	v20 =	vmul.f32 v20, v10  }
0x140: {  	v28 =	vor.u32 s29, v3;
	v29 =	vld.idx.msk [tilespmem:v29+s16+$0x0], $0xffff;
	[tilespmem:s28+$0xFFFFFF20] =	vst v24;
	v19 =	vmul.f32 v19, v12  }
0x141: {  	v24 =	vor.u32 s10, v6;
	v18 =	vmul.f32 v18, v10;
	[tilespmem:s26+$0xFFFFFF90] =	vst v20;
	v20 =	vld.idx.msk [tilespmem:v25+s16+$0x0], $0xffff  }
0x142: {  	s11 =	simm.s32 $0x160;
	[tilespmem:s28+$0xB0] =	vst v19;
	v19 =	vor.u32 s8, v6;
	v25 =	vld.idx.msk [tilespmem:v26+s16+$0x0], $0xffff;
	v22 =	vmul.f32 v22, v10  }
0x143: {  	s13 =	simm.s32 $0x100;
	v26 =	vor.u32 s11, v0;
	[tilespmem:s26+$0x10] =	vst v18;
	v18 =	vld.idx.msk [tilespmem:v27+s16+$0x0], $0xffff;
	v17 =	vmul.f32 v17, v13  }
0x144: {  	s15 =	simm.s32 $0x120;
	v27 =	vor.u32 s13, v0;
	v21 =	vmul.f32 v21, v13;
	v23 =	vld.idx.msk [tilespmem:v23+s16+$0x0], $0xffff;
	[tilespmem:s26+$0x90] =	vst v22  }
0x145: {  	v22 =	vor.u32 s15, v0;
	v28 =	vld.idx.msk [tilespmem:v28+s16+$0x0], $0xffff;
	[tilespmem:s28+$0x40] =	vst v17  }
0x146: {  	s6 =	simm.s32 $0x140;
	[tilespmem:s28+$0xFFFFFFC0] =	vst v21;
	v21 =	vor.u32 s2, v5;
	v17 =	vld.idx.msk [tilespmem:v24+s16+$0x0], $0xffff;
	v24 =	vmul.f32 v29, v10  }
0x147: {  	v29 =	vor.u32 s6, v0;
	v19 =	vld.idx.msk [tilespmem:v19+s16+$0x0], $0xffff;
	v20 =	vmul.f32 v20, v12  }
0x148: {  	v30 =	vor.u32 s30, v4;
	v26 =	vld.idx.msk [tilespmem:v26+s16+$0x0], $0xffff;
	[tilespmem:s26+$0xFFFFFF10] =	vst v24  }
0x149: {  	v24 =	vmul.f32 v25, v11;
	v25 =	vld.idx.msk [tilespmem:v27+s16+$0x0], $0xffff;
	[tilespmem:s28+$0xFFFFFF30] =	vst v20;
	v20 =	vmul.f32 v23, v11;
	v23 =	vor.u32 s29, v4  }
0x14a: {  	v27 =	vor.u32 s10, v7;
	v22 =	vld.idx.msk [tilespmem:v22+s16+$0x0], $0xffff  }
0x14b: {  	v31 =	vor.u32 s8, v7;
	[tilespmem:s26+$0xFFFFFFA0] =	vst v24;
	v21 =	vld.idx.msk [tilespmem:v21+s16+$0x0], $0xffff;
	v28 =	vmul.f32 v28, v11  }
0x14c: {  	v24 =	vor.u32 s1, v4;
	[tilespmem:s26+$0x20] =	vst v20;
	v17 =	vmul.f32 v17, v14;
	v20 =	vld.idx.msk [tilespmem:v29+s16+$0x0], $0xffff  }
0x14d: {  	v29 =	vor.u32 s0, v6;
	v19 =	vmul.f32 v19, v14;
	v30 =	vld.idx.msk [tilespmem:v30+s16+$0x0], $0xffff;
	[tilespmem:s26+$0xA0] =	vst v28  }
0x14e: {  	v28 =	vor.u32 s13, v2;
	[tilespmem:s28+$0x50] =	vst v17;
	v17 =	vmul.f32 v18, v13;
	v23 =	vld.idx.msk [tilespmem:v23+s16+$0x0], $0xffff  }
0x14f: {  	v18 =	vor.u32 s31, v3;
	[tilespmem:s28+$0xFFFFFFD0] =	vst v19;
	v19 =	vmul.f32 v25, v9;
	v27 =	vld.idx.msk [tilespmem:v27+s16+$0x0], $0xffff  }
0x150: {  	s22 =	simm.s32 $0x9780;
	v25 =	vor.u32 s6, v2;
	v31 =	vld.idx.msk [tilespmem:v31+s16+$0x0], $0xffff;
	[tilespmem:s28+$0xC0] =	vst v17;
	v17 =	vmul.f32 v22, v9  }
0x151: {  	v22 =	vld.idx.msk [tilespmem:v24+s16+$0x0], $0xffff;
	v24 =	vor.u32 s2, v6;
	[tilespmem:s22+$0xFFFFFF00] =	vst v19;
	v19 =	vmul.f32 v26, v9  }
0x152: {  	v26 =	vld.idx.msk [tilespmem:v29+s16+$0x0], $0xffff;
	v29 =	vor.u32 s15, v2;
	v20 =	vmul.f32 v20, v9;
	[tilespmem:s22+$0xFFFFFF80] =	vst v17  }
0x153: {  	v17 =	vmul.f32 v21, v13;
	[tilespmem:s22+$0x80] =	vst v19;
	v19 =	vor.u32 s10, v8;
	v28 =	vld.idx.msk [tilespmem:v28+s16+$0x0], $0xffff  }
0x154: {  	v32 =	vor.u32 s1, v5;
	v30 =	vmul.f32 v30, v12;
	v18 =	vld.idx.msk [tilespmem:v18+s16+$0x0], $0xffff;
	[tilespmem:s22+$0x0] =	vst v20  }
0x155: {  	[tilespmem:s28+$0xFFFFFF40] =	vst v17;
	v17 =	vor.u32 s11, v2;
	v20 =	vmul.f32 v27, v15;
	v21 =	vld.idx.msk [tilespmem:v25+s16+$0x0], $0xffff  }
0x156: {  	[tilespmem:s26+$0xFFFFFFB0] =	vst v30;
	v33 =	vld.idx.msk [tilespmem:v24+s16+$0x0], $0xffff;
	v24 =	vor.u32 s30, v5;
	v22 =	vmul.f32 v22, v12  }
0x157: {  	v34 =	vor.u32 s0, v7;
	v25 =	vmul.f32 v23, v12;
	v29 =	vld.idx.msk [tilespmem:v29+s16+$0x0], $0xffff;
	[tilespmem:s28+$0x60] =	vst v20  }
0x158: {  	v35 =	vor.u32 s8, v8;
	[tilespmem:s26+$0x30] =	vst v22;
	v22 =	vmul.f32 v31, v15;
	v23 =	vld.idx.msk [tilespmem:v19+s16+$0x0], $0xffff  }
0x159: {  	v27 =	vor.u32 s2, v7;
	[tilespmem:s26+$0xB0] =	vst v25;
	v19 =	vmul.f32 v26, v14;
	v20 =	vld.idx.msk [tilespmem:v32+s16+$0x0], $0xffff  }
0x15a: {  	v25 =	vor.u32 s31, v4;
	v30 =	vmul.f32 v28, v10;
	v26 =	vld.idx.msk [tilespmem:v17+s16+$0x0], $0xffff;
	[tilespmem:s28+$0xFFFFFFE0] =	vst v22  }
0x15b: {  	v28 =	vor.u32 s15, v3;
	[tilespmem:s28+$0xD0] =	vst v19;
	v24 =	vld.idx.msk [tilespmem:v24+s16+$0x0], $0xffff;
	v22 =	vmul.f32 v33, v14  }
0x15c: {  	[tilespmem:s22+$0xFFFFFF10] =	vst v30;
	v30 =	vmul.f32 v18, v11;
	v19 =	vor.u32 s29, v5;
	v18 =	vld.idx.msk [tilespmem:v34+s16+$0x0], $0xffff  }
0x15d: {  	s8 =	simm.s32 $0x9780;
	s10 =	simm.s32 $0xC;
	v17 =	vor.u32 s11, v3;
	v31 =	vmul.f32 v29, v10;
	v29 =	vor.u32 s6, v3;
	[tilespmem:s28+$0xFFFFFF50] =	vst v22;
	v22 =	vld.idx.msk [tilespmem:v35+s16+$0x0], $0xffff  }
.LBB2_11:
0x15e: {  	s18 =	sshll.u32 s10, $0x5;
	p0 =	slt.u32 s10, $0x7C;
	s10 =	sadd.s32 $0x4, s10;
	[tilespmem:s26+$0xFFFFFF20] =	vst v30;
	v30 =	vor.u32 s1, v6;
	v27 =	vld.idx.msk [tilespmem:v27+s16+$0x0], $0xffff;
	v23 =	vmul.f32 v23, v16  }
0x15f: {  	v21 =	vmul.f32 v21, v10;
	v32 =	vor.u32 s18, v0;
	s23 =	sadd.s32 $0x20, s18;
	s21 =	sadd.s32 $0x60, s18;
	[tilespmem:s22+$0xFFFFFF90] =	vst v31;
	v25 =	vld.idx.msk [tilespmem:v25+s16+$0x0], $0xffff;
	v31 =	vor.u32 s30, v6  }
0x160: {  	s3 =	sadd.s32 $0x40, s18;
	v26 =	vmul.f32 v26, v10;
	v33 =	vor.u32 s23, v0;
	v34 =	vor.u32 s21, v0;
	v28 =	vld.idx.msk [tilespmem:v28+s16+$0x0], $0xffff;
	[tilespmem:s28+$0x70] =	vst v23  }
0x161: {  	v23 =	vor.u32 s3, v0;
	v35 =	vor.u32 s21, v3;
	[tilespmem:s22+$0x10] =	vst v21;
	v21 =	vmul.f32 v24, v13;
	v19 =	vld.idx.msk [tilespmem:v19+s16+$0x0], $0xffff  }
0x162: {  	v20 =	vmul.f32 v20, v13;
	v24 =	vld.idx.msk [tilespmem:v29+s16+$0x0], $0xffff;
	[tilespmem:s22+$0x90] =	vst v26;
	v26 =	vor.u32 s2, v8;
	s2 =	smov.u32 s31;
	s31 =	smov.u32 s13;
	s13 =	smov.u32 s18  }
0x163: {  	v29 =	vld.idx.msk [tilespmem:v17+s16+$0x0], $0xffff;
	[tilespmem:s26+$0xFFFFFFC0] =	vst v21;
	v21 =	vmul.f32 v22, v16;
	v17 =	vmov v35  }
0x164: {  	v22 =	vld.idx.msk [tilespmem:v31+s16+$0x0], $0xffff;
	[tilespmem:s26+$0x40] =	vst v20;
	v20 =	vmul.f32 v27, v15;
	v27 =	vor.u32 s0, v8;
	s0 =	smov.u32 s29;
	s29 =	smov.u32 s11;
	s11 =	smov.u32 s21  }
0x165: {  	v25 =	vmul.f32 v25, v12;
	v30 =	vld.idx.msk [tilespmem:v30+s16+$0x0], $0xffff;
	[tilespmem:s28+$0xFFFFFFF0] =	vst v21  }
0x166: {  	v18 =	vmul.f32 v18, v15;
	v31 =	vor.u32 s2, v5;
	v28 =	vmul.f32 v28, v11;
	v21 =	vld.idx.msk [tilespmem:v34+s16+$0x0], $0xffff;
	[tilespmem:s28+$0xFFFFFF60] =	vst v20  }
0x167: {  	v19 =	vmul.f32 v19, v13;
	[tilespmem:s26+$0xFFFFFF30] =	vst v25;
	v20 =	vld.idx.msk [tilespmem:v26+s16+$0x0], $0xffff  }
0x168: {  	v26 =	vor.u32 s13, v2;
	v24 =	vmul.f32 v24, v11;
	v25 =	vld.idx.msk [tilespmem:v32+s16+$0x0], $0xffff;
	[tilespmem:s22+$0xFFFFFFA0] =	vst v28;
	v28 =	vor.u32 s15, v4  }
0x169: {  	v29 =	vmul.f32 v29, v11;
	v32 =	vld.idx.msk [tilespmem:v33+s16+$0x0], $0xffff;
	v33 =	vor.u32 s1, v7;
	[tilespmem:s28+$0xE0] =	vst v18  }
0x16a: {  	v18 =	vor.u32 s29, v4;
	v22 =	vmul.f32 v22, v14;
	[tilespmem:s22+$0x20] =	vst v24;
	v24 =	vld.idx.msk [tilespmem:v27+s16+$0x0], $0xffff  }
0x16b: {  	v27 =	vor.u32 s6, v4;
	s22 =	sadd.s32 $0x200, s22;
	v30 =	vmul.f32 v30, v14;
	[tilespmem:s8+$0xA0] =	vst v29;
	v29 =	vld.idx.msk [tilespmem:v31+s16+$0x0], $0xffff  }
0x16c: {  	v31 =	vor.u32 s23, v2;
	v23 =	vld.idx.msk [tilespmem:v23+s16+$0x0], $0xffff;
	[tilespmem:s26+$0xFFFFFFD0] =	vst v22;
	v22 =	vor.u32 s0, v6  }
0x16d: {  	v35 =	vor.u32 s30, v7;
	v34 =	vor.u32 s31, v3;
	v20 =	vmul.f32 v20, v16;
	v28 =	vld.idx.msk [tilespmem:v28+s16+$0x0], $0xffff;
	[tilespmem:s26+$0x50] =	vst v30  }
0x16e: {  	v36 =	vor.u32 s11, v2;
	v25 =	vmul.f32 v25, v9;
	v30 =	vor.u32 s3, v2;
	v33 =	vld.idx.msk [tilespmem:v33+s16+$0x0], $0xffff;
	[tilespmem:s26+$0xC0] =	vst v19  }
0x16f: {  	v19 =	vmul.f32 v32, v9;
	v18 =	vld.idx.msk [tilespmem:v18+s16+$0x0], $0xffff;
	[tilespmem:s28+$0xFFFFFF70] =	vst v20  }
0x170: {  	v20 =	vmul.f32 v21, v9;
	v21 =	vor.u32 s2, v6;
	v24 =	vmul.f32 v24, v16;
	[tilespmem:s22+$0xFFFFFF00] =	vst v25;
	v25 =	vld.idx.msk [tilespmem:v27+s16+$0x0], $0xffff  }
0x171: {  	[tilespmem:s22+$0xFFFFFF80] =	vst v19;
	v19 =	vld.idx.msk [tilespmem:v22+s16+$0x0], $0xffff  }
0x172: {  	v22 =	vmul.f32 v23, v9;
	v23 =	vmul.f32 v29, v13;
	v27 =	vld.idx.msk [tilespmem:v35+s16+$0x0], $0xffff;
	[tilespmem:s28+$0xF0] =	vst v24;
	s28 =	smov.u32 s26;
	s26 =	smov.u32 s8;
	s8 =	smov.u32 s22  }
0x173: {  	v24 =	vor.u32 s1, v8;
	s1 =	smov.u32 s6;
	s6 =	smov.u32 s3;
	[tilespmem:s22+$0x80] =	vst v20;
	v29 =	vld.idx.msk [tilespmem:v34+s16+$0x0], $0xffff;
	v20 =	vmul.f32 v28, v12  }
0x174: {  	v28 =	vor.u32 s1, v5;
	v26 =	vld.idx.msk [tilespmem:v26+s16+$0x0], $0xffff;
	[tilespmem:s28+$0xFFFFFF40] =	vst v23  }
0x175: {  	v23 =	vmul.f32 v33, v15;
	[tilespmem:s22+$0x0] =	vst v22;
	v22 =	vld.idx.msk [tilespmem:v21+s16+$0x0], $0xffff  }
0x176: {  	v21 =	vld.idx.msk [tilespmem:v30+s16+$0x0], $0xffff;
	[tilespmem:s26+$0xFFFFFFB0] =	vst v20;
	v30 =	vor.u32 s15, v5;
	v20 =	vmul.f32 v25, v12  }
0x177: {  	v32 =	vor.u32 s0, v7;
	v18 =	vmul.f32 v18, v12;
	v31 =	vld.idx.msk [tilespmem:v31+s16+$0x0], $0xffff;
	[tilespmem:s28+$0x60] =	vst v23  }
0x178: {  	v34 =	vor.u32 s30, v8;
	s30 =	smov.u32 s15;
	s15 =	smov.u32 s23;
	v33 =	vmul.f32 v27, v15;
	[tilespmem:s26+$0x30] =	vst v20;
	v23 =	vld.idx.msk [tilespmem:v24+s16+$0x0], $0xffff  }
.Ltmp7:
0x179: {  	v27 =	vor.u32 s2, v7;
	v20 =	vld.idx.msk [tilespmem:v28+s16+$0x0], $0xffff;
	[tilespmem:s26+$0xB0] =	vst v18;
	v18 =	vmul.f32 v19, v14;
	(pc) =	sbr.rel @p0 .LBB2_11-.Ltmp7, $4  }
0x17a: {  	v25 =	vor.u32 s31, v4;
	v19 =	vmul.f32 v26, v10;
	v26 =	vld.idx.msk [tilespmem:v36+s16+$0x0], $0xffff;
	[tilespmem:s28+$0xFFFFFFE0] =	vst v33  }
0x17b: {  	v28 =	vor.u32 s15, v3;
	v22 =	vmul.f32 v22, v14;
	v24 =	vld.idx.msk [tilespmem:v30+s16+$0x0], $0xffff;
	[tilespmem:s28+$0xD0] =	vst v18  }
0x17c: {  	v30 =	vmul.f32 v29, v11;
	[tilespmem:s22+$0xFFFFFF10] =	vst v19;
	v19 =	vor.u32 s29, v5;
	v18 =	vld.idx.msk [tilespmem:v32+s16+$0x0], $0xffff  }
0x17d: {  	v29 =	vor.u32 s6, v3;
	v31 =	vmul.f32 v31, v10;
	[tilespmem:s28+$0xFFFFFF50] =	vst v22;
	v22 =	vld.idx.msk [tilespmem:v34+s16+$0x0], $0xffff  }
0x17e: {  	_ = 	snop  }
0x17f: {  	v21 =	vmul.f32 v21, v10;
	v32 =	vor.u32 s13, v3;
	_ =	sdelay $0x1  }
0x180: {  	[tilespmem:s22+$0x10] =	vst v21  }
0x181: {  	[tilespmem:s22+$0xFFFFFF90] =	vst v31;
	v37 =	vmul.f32 v26, v10;
	v38 =	vld.idx.msk [tilespmem:v29+s16+$0x0], $0xffff  }
0x182: {  	v28 =	vld.idx.msk [tilespmem:v28+s16+$0x0], $0xffff  }
0x183: {  	v23 =	vmul.f32 v23, v16;
	[tilespmem:s22+$0x90] =	vst v37;
	v39 =	vld.idx.msk [tilespmem:v32+s16+$0x0], $0xffff  }
0x184: {  	[tilespmem:s26+$0xFFFFFF20] =	vst v30;
	v40 =	vor.u32 s6, v4;
	v20 =	vmul.f32 v20, v13;
	v17 =	vld.idx.msk [tilespmem:v17+s16+$0x0], $0xffff  }
0x185: {  	v41 =	vor.u32 s15, v4;
	v24 =	vmul.f32 v24, v13;
	[tilespmem:s28+$0x70] =	vst v23  }
0x186: {  	v43 =	vor.u32 s13, v4;
	[tilespmem:s26+$0x40] =	vst v20;
	v42 =	vmul.f32 v38, v11  }
0x187: {  	v45 =	vor.u32 s11, v4;
	v25 =	vld.idx.msk [tilespmem:v25+s16+$0x0], $0xffff;
	[tilespmem:s26+$0xFFFFFFC0] =	vst v24;
	v44 =	vmul.f32 v28, v11  }
0x188: {  	v27 =	vld.idx.msk [tilespmem:v27+s16+$0x0], $0xffff;
	[tilespmem:s22+$0x20] =	vst v42;
	v21 =	vmul.f32 v39, v11  }
0x189: {  	v47 =	vor.u32 s1, v6;
	[tilespmem:s22+$0xFFFFFFA0] =	vst v44;
	v17 =	vmul.f32 v17, v11;
	v48 =	vld.idx.msk [tilespmem:v40+s16+$0x0], $0xffff  }
0x18a: {  	v49 =	vor.u32 s31, v5;
	v18 =	vmul.f32 v18, v15;
	v23 =	vld.idx.msk [tilespmem:v41+s16+$0x0], $0xffff;
	[tilespmem:s8+$0xFFFFFF20] =	vst v21  }
0x18b: {  	v46 =	vor.u32 s30, v6;
	v22 =	vmul.f32 v22, v16;
	[tilespmem:s8+$0xA0] =	vst v17;
	v17 =	vld.idx.msk [tilespmem:v43+s16+$0x0], $0xffff  }
0x18c: {  	v52 =	vor.u32 s6, v5;
	[tilespmem:s28+$0xE0] =	vst v18;
	v25 =	vmul.f32 v25, v12;
	v51 =	vld.idx.msk [tilespmem:v45+s16+$0x0], $0xffff  }
0x18d: {  	v54 =	vor.u32 s15, v5;
	v19 =	vld.idx.msk [tilespmem:v19+s16+$0x0], $0xffff;
	v50 =	vmul.f32 v27, v15;
	[tilespmem:s28+$0xFFFFFFF0] =	vst v22  }
0x18e: {  	v55 =	vor.u32 s13, v5;
	v24 =	vld.idx.msk [tilespmem:v47+s16+$0x0], $0xffff;
	[tilespmem:s26+$0xFFFFFF30] =	vst v25;
	v20 =	vmul.f32 v48, v12  }
0x18f: {  	v56 =	vor.u32 s11, v5;
	[tilespmem:s28+$0xFFFFFF60] =	vst v50;
	v18 =	vld.idx.msk [tilespmem:v49+s16+$0x0], $0xffff;
	v23 =	vmul.f32 v23, v12  }
0x190: {  	v57 =	vor.u32 s2, v8;
	v53 =	vld.idx.msk [tilespmem:v46+s16+$0x0], $0xffff;
	[tilespmem:s8+$0x30] =	vst v20;
	v17 =	vmul.f32 v17, v12  }
0x191: {  	v58 =	vor.u32 s0, v8;
	[tilespmem:s8+$0xFFFFFFB0] =	vst v23;
	v22 =	vmul.f32 v51, v12;
	v59 =	vld.idx.msk [tilespmem:v52+s16+$0x0], $0xffff  }
0x192: {  	v61 =	vor.u32 s31, v6;
	v19 =	vmul.f32 v19, v13;
	v21 =	vld.idx.msk [tilespmem:v54+s16+$0x0], $0xffff;
	[tilespmem:s8+$0xFFFFFF30] =	vst v17  }
0x193: {  	v62 =	vor.u32 s29, v6;
	[tilespmem:s8+$0xB0] =	vst v22;
	v17 =	vmul.f32 v24, v14;
	v63 =	vld.idx.msk [tilespmem:v55+s16+$0x0], $0xffff  }
0x194: {  	v32 =	vor.u32 s6, v6;
	[tilespmem:s26+$0xC0] =	vst v19;
	v18 =	vmul.f32 v18, v13;
	v33 =	vld.idx.msk [tilespmem:v56+s16+$0x0], $0xffff  }
0x195: {  	v34 =	vld.idx.msk [tilespmem:v57+s16+$0x0], $0xffff;
	v60 =	vmul.f32 v53, v14;
	[tilespmem:s26+$0x50] =	vst v17;
	v17 =	vor.u32 s15, v6  }
0x196: {  	v35 =	vor.u32 s13, v6;
	[tilespmem:s26+$0xFFFFFF40] =	vst v18;
	v20 =	vld.idx.msk [tilespmem:v58+s16+$0x0], $0xffff;
	v18 =	vmul.f32 v59, v13  }
0x197: {  	v36 =	vor.u32 s11, v6;
	[tilespmem:s26+$0xFFFFFFD0] =	vst v60;
	v19 =	vld.idx.msk [tilespmem:v61+s16+$0x0], $0xffff;
	v21 =	vmul.f32 v21, v13  }
0x198: {  	v37 =	vor.u32 s1, v7;
	v24 =	vld.idx.msk [tilespmem:v62+s16+$0x0], $0xffff;
	[tilespmem:s8+$0x40] =	vst v18;
	v18 =	vmul.f32 v63, v13  }
0x199: {  	v38 =	vor.u32 s30, v7;
	[tilespmem:s8+$0xFFFFFFC0] =	vst v21;
	v40 =	vmul.f32 v33, v13;
	v39 =	vld.idx.msk [tilespmem:v32+s16+$0x0], $0xffff  }
0x19a: {  	v42 =	vor.u32 s31, v7;
	v41 =	vmul.f32 v34, v16;
	v17 =	vld.idx.msk [tilespmem:v17+s16+$0x0], $0xffff;
	[tilespmem:s8+$0xFFFFFF40] =	vst v18  }
0x19b: {  	v43 =	vor.u32 s29, v7;
	[tilespmem:s8+$0xC0] =	vst v40;
	v18 =	vmul.f32 v20, v16;
	v23 =	vld.idx.msk [tilespmem:v35+s16+$0x0], $0xffff  }
0x19c: {  	v44 =	vor.u32 s6, v7;
	[tilespmem:s28+$0xFFFFFF70] =	vst v41;
	v19 =	vmul.f32 v19, v14;
	v45 =	vld.idx.msk [tilespmem:v36+s16+$0x0], $0xffff  }
0x19d: {  	v47 =	vor.u32 s15, v7;
	v46 =	vld.idx.msk [tilespmem:v37+s16+$0x0], $0xffff;
	[tilespmem:s28+$0xF0] =	vst v18;
	v18 =	vmul.f32 v24, v14  }
0x19e: {  	v48 =	vor.u32 s13, v7;
	v22 =	vld.idx.msk [tilespmem:v38+s16+$0x0], $0xffff;
	[tilespmem:s26+$0xFFFFFF50] =	vst v19;
	v19 =	vmul.f32 v39, v14  }
0x19f: {  	v49 =	vor.u32 s11, v7;
	[tilespmem:s26+$0xD0] =	vst v18;
	v18 =	vld.idx.msk [tilespmem:v42+s16+$0x0], $0xffff;
	v17 =	vmul.f32 v17, v14  }
0x1a0: {  	v50 =	vor.u32 s1, v8;
	v20 =	vld.idx.msk [tilespmem:v43+s16+$0x0], $0xffff;
	[tilespmem:s8+$0x50] =	vst v19;
	v19 =	vmul.f32 v23, v14  }
0x1a1: {  	v51 =	vor.u32 s30, v8;
	v52 =	vmul.f32 v45, v14;
	[tilespmem:s8+$0xFFFFFFD0] =	vst v17;
	v17 =	vld.idx.msk [tilespmem:v44+s16+$0x0], $0xffff  }
0x1a2: {  	v54 =	vor.u32 s31, v8;
	v53 =	vmul.f32 v46, v15;
	v24 =	vld.idx.msk [tilespmem:v47+s16+$0x0], $0xffff;
	[tilespmem:s8+$0xFFFFFF50] =	vst v19  }
0x1a3: {  	v55 =	vor.u32 s29, v8;
	[tilespmem:s8+$0xD0] =	vst v52;
	v19 =	vmul.f32 v22, v15;
	v21 =	vld.idx.msk [tilespmem:v48+s16+$0x0], $0xffff  }
0x1a4: {  	v56 =	vor.u32 s6, v8;
	[tilespmem:s26+$0x60] =	vst v53;
	v57 =	vld.idx.msk [tilespmem:v49+s16+$0x0], $0xffff;
	v18 =	vmul.f32 v18, v15  }
0x1a5: {  	v59 =	vor.u32 s15, v8;
	v58 =	vld.idx.msk [tilespmem:v50+s16+$0x0], $0xffff;
	[tilespmem:s26+$0xFFFFFFE0] =	vst v19;
	v19 =	vmul.f32 v20, v15  }
0x1a6: {  	v23 =	vld.idx.msk [tilespmem:v51+s16+$0x0], $0xffff;
	[tilespmem:s26+$0xFFFFFF60] =	vst v18;
	v18 =	vor.u32 s13, v8;
	v17 =	vmul.f32 v17, v15  }
0x1a7: {  	v60 =	vor.u32 s11, v8;
	v27 =	vld.idx.msk [tilespmem:v54+s16+$0x0], $0xffff;
	[tilespmem:s26+$0xE0] =	vst v19;
	v19 =	vmul.f32 v24, v15  }
0x1a8: {  	v22 =	vld.idx.msk [tilespmem:v55+s16+$0x0], $0xffff;
	[tilespmem:s8+$0x60] =	vst v17;
	v17 =	vmul.f32 v21, v15  }
0x1a9: {  	[tilespmem:s8+$0xFFFFFFE0] =	vst v19;
	v19 =	vmul.f32 v57, v15;
	v61 =	vld.idx.msk [tilespmem:v56+s16+$0x0], $0xffff  }
0x1aa: {  	v62 =	vmul.f32 v58, v16;
	v20 =	vld.idx.msk [tilespmem:v59+s16+$0x0], $0xffff;
	[tilespmem:s8+$0xFFFFFF60] =	vst v17  }
0x1ab: {  	v17 =	vmul.f32 v23, v16;
	[tilespmem:s8+$0xE0] =	vst v19;
	v18 =	vld.idx.msk [tilespmem:v18+s16+$0x0], $0xffff  }
0x1ac: {  	[tilespmem:s26+$0x70] =	vst v62;
	v19 =	vmul.f32 v27, v16;
	v63 =	vld.idx.msk [tilespmem:v60+s16+$0x0], $0xffff  }
0x1ad: {  	[tilespmem:s26+$0xFFFFFFF0] =	vst v17;
	v17 =	vmul.f32 v22, v16  }
0x1ae: {  	[tilespmem:s26+$0xFFFFFF70] =	vst v19;
	v19 =	vmul.f32 v61, v16  }
0x1af: {  	p0 =	seq.s32 s24, $0x18;
	[tilespmem:s26+$0xF0] =	vst v17;
	v17 =	vmul.f32 v20, v16  }
.Ltmp8:
0x1b0: {  	[tilespmem:s8+$0x70] =	vst v19;
	v18 =	vmul.f32 v18, v16;
	(pc) =	sbr.rel @p0 .LBB2_14-.Ltmp8, $4  }
0x1b1: {  	[tilespmem:s8+$0xFFFFFFF0] =	vst v17;
	v17 =	vmul.f32 v63, v16  }
0x1b2: {  	s30 =	sshll.u32 s24, $0xC;
	[tilespmem:s8+$0xFFFFFF70] =	vst v18  }
0x1b3: {  	s0 =	sadd.s32 s9, s30;
	s31 =	simm.s32 $0x9280;
	[tilespmem:s8+$0xF0] =	vst v17  }
0x1b4: {  	[hbm4b:s0+s4] =	stream.linear.scatter [tilespmem:s31], [sflag:$0x4], $0x4000, $0x38;
	[tilespmem:$0xD280] =	vst v63  }
.Ltmp9:
0x1b5: {  	(pc) =	sbr.rel .LBB2_4-.Ltmp9, $4  }
0x1b6: {  	_ = 	snop  }
0x1b7: {  	s0 =	sshrl.u32 s25, $0x2  }
0x1b8: {  	s24 =	sadd.s32 $0x1, s24;
	s0 =	sadd.s32 $0x1A80, s0  }
0x1b9: {  	[tilespmem:s16], [sflag:$0x2] =	stream.indirect.gather [hbm4b:s5+s12], $0x20, s0, s12, $0xb8;
	[tilespmem:$0xD280] =	vst v63  }
.LBB2_15:
0x1ba: {  	_ =	sfence.sel $0x180000  }
0x1bb: {  	[bflag:$0x0] =	sbarrier.arrive $0xFFFF  }
0x1bc: {  	_ =	strace $0x90000047  }
0x1bd: {  	s0 =	stileid.u32;
	[bflag:$0x2] =	sbarrier.arrive $0xFFFF  }
0x1be: {  	p0 =	sne.s32 s0, $0x0;
	s0 =	rddreg [dreg:$0x3]  }
0x1bf: {  	s0 =	sadd.s32 @!p0 $0x100000, s0  }
0x1c0: {  	[sflag:s0] =	ssyncadd.tile.s32 @!p0 $0x1;
	_ =	shalt  }
.Lfunc_end2:
_tile_overlayer_lowered:
.L_overlay_start_2:
0x1c1: {  	(tag) =	ssettag $0x2  }
0x1c2: {  	s0 =	rddreg [dreg:$0x0];
	s2 =	stileid.u32  }
0x1c3: {  	s1 =	rddreg [dreg:$0x1];
	p0 =	sne.s32 s2, $0x0  }
0x1c4: {  	s3 =	rddreg [dreg:$0x2];
	[bflag:$0x3] =	sbarrier.arrive $0xFFFF;
	s2 =	simm.s32 @!p0 $0x1C05  }
0x1c5: {  	[timem:s3], [sflag:s2] =	dma.local @!p0 [hbm:s0], s1  }
0x1c6: {  	s0 =	simm.s32 @!p0 $0x5  }
0x1c7: {  	_ =	swait.ge @!p0 [sflag:s0], s1  }
0x1c8: {  	s1 =	ssub.s32 @!p0 $0x0, s1;
	[sflag:s0] =	ssyncset.done @!p0 $0x0  }
0x1c9: {  	[sflag:s0] =	ssyncadd.s32 @!p0 s1  }
0x1ca: {  	[bflag:$0x3] =	sbarrier.arrive $0xFFFF  }
0x1cb: {  	_ =	shalt  }

</sc_bundles>
